<compile_context>
chip_gen: v7x
topology: tpu7x:2x2x1
jax: 0.10.2.dev20260603
libtpu: 0.0.44.dev20260713+nightly
codegen_flags: <defaults>
</compile_context>

<pallas_src>
import functools

import jax
import jax.numpy as jnp
from jax import lax
from jax.experimental import pallas as pl
from jax.experimental.pallas import tpu as pltpu
from jax.experimental.pallas import tpu_sc as plsc

_N = 10000
_E = 320000
_HID = 128
_CLS = 40

_NC = 2
_NS = 16
_NW = _NC * _NS
_CHUNK = 80
_EPT = _E // _NW
_NCHUNK = 125
_EPTP = _NCHUNK * _CHUNK
_NPAD = 10240
_RPT = _NPAD // _NS
_ZR = 8

_R = 1000
_G = _N // _R

_mesh = plsc.VectorSubcoreMesh(core_axis_name="c", subcore_axis_name="s")


@functools.partial(
    pl.kernel,
    out_type=jax.ShapeDtypeStruct((_NC, _NPAD, _HID), jnp.float32),
    mesh=_mesh,
    scratch_types=[
        pltpu.VMEM((_EPTP,), jnp.int32),
        pltpu.VMEM((_NCHUNK, _CHUNK), jnp.int32),
        pltpu.VMEM((_CHUNK, _HID), jnp.float32),
        pltpu.VMEM((_CHUNK, _HID), jnp.float32),
        pltpu.VMEM((_ZR, _HID), jnp.float32),
        pltpu.VMEM_SHARED((_NPAD, _HID), jnp.float32),
        pltpu.SemaphoreType.DMA,
        pltpu.SemaphoreType.DMA,
    ],
)
def _segsum(src_hbm, dst_hbm, zeros_hbm, p_hbm, out_hbm,
            sidx, didx, rows0, rows1, zbuf, acc, gsem0, gsem1):
    cid = lax.axis_index("c")
    sid = lax.axis_index("s")
    wid = sid * _NC + cid

    pltpu.sync_copy(src_hbm.at[pl.ds(wid * _EPTP, _EPTP)], sidx)
    pltpu.sync_copy(dst_hbm.at[wid], didx)
    pltpu.sync_copy(zeros_hbm, zbuf)
    row0 = sid * _RPT

    def zacc(j, carry):
        pltpu.sync_copy(zbuf, acc.at[pl.ds(row0 + j * _ZR, _ZR), :])
        return carry

    lax.fori_loop(0, _RPT // _ZR, zacc, 0)
    plsc.subcore_barrier()

    def _sl(i):
        return sidx.at[pl.ds(i * _CHUNK, _CHUNK)]

    pltpu.async_copy(p_hbm.at[_sl(0)], rows0, gsem0)
    pltpu.async_copy(p_hbm.at[_sl(1)], rows1, gsem1)

    def body(k, carry):
        i = 2 * k
        pltpu.make_async_copy(p_hbm.at[_sl(i)], rows0, gsem0).wait()
        pltpu.sync_copy(rows0, acc.at[didx.at[i]], add=True)

        @pl.when(i + 2 < _NCHUNK)
        def _():
            pltpu.async_copy(p_hbm.at[_sl(i + 2)], rows0, gsem0)

        pltpu.make_async_copy(p_hbm.at[_sl(i + 1)], rows1, gsem1).wait()
        pltpu.sync_copy(rows1, acc.at[didx.at[i + 1]], add=True)

        @pl.when(i + 3 < _NCHUNK)
        def _():
            pltpu.async_copy(p_hbm.at[_sl(i + 3)], rows1, gsem1)

        return carry

    lax.fori_loop(0, (_NCHUNK - 1) // 2, body, 0)
    pltpu.make_async_copy(p_hbm.at[_sl(_NCHUNK - 1)], rows0, gsem0).wait()
    pltpu.sync_copy(rows0, acc.at[didx.at[_NCHUNK - 1]], add=True)
    plsc.subcore_barrier()

    pltpu.sync_copy(acc.at[pl.ds(row0, _RPT), :],
                    out_hbm.at[cid, pl.ds(row0, _RPT), :])


@functools.partial(
    pl.kernel,
    out_type=jax.ShapeDtypeStruct((_NC, _NPAD, _HID), jnp.float32),
    mesh=_mesh,
    scratch_types=[
        pltpu.VMEM((_NCHUNK, _CHUNK), jnp.int32),
        pltpu.VMEM((_CHUNK, _HID), jnp.float32),
        pltpu.VMEM((_ZR, _HID), jnp.float32),
        pltpu.VMEM_SHARED((_NPAD, _HID), jnp.float32),
        pltpu.SemaphoreType.DMA,
    ],
)
def _degsum(dst_hbm, ones_hbm, zeros_hbm, out_hbm, didx, ones_v, zbuf, acc,
            sem):
    cid = lax.axis_index("c")
    sid = lax.axis_index("s")
    wid = sid * _NC + cid

    pltpu.sync_copy(dst_hbm.at[wid], didx)
    pltpu.sync_copy(zeros_hbm, zbuf)
    pltpu.sync_copy(ones_hbm, ones_v)
    row0 = sid * _RPT

    def zacc(j, carry):
        pltpu.sync_copy(zbuf, acc.at[pl.ds(row0 + j * _ZR, _ZR), :])
        return carry

    lax.fori_loop(0, _RPT // _ZR, zacc, 0)
    plsc.subcore_barrier()

    def body(i, carry):
        pltpu.async_copy(ones_v, acc.at[didx.at[i]], sem, add=True)

        @pl.when(i >= 4)
        def _():
            pltpu.make_async_copy(ones_v, acc.at[didx.at[i]], sem).wait()

        return carry

    lax.fori_loop(0, _NCHUNK, body, 0)

    def drain(i, carry):
        pltpu.make_async_copy(ones_v, acc.at[didx.at[i]], sem).wait()
        return carry

    lax.fori_loop(0, 4, drain, 0)
    plsc.subcore_barrier()

    pltpu.sync_copy(acc.at[pl.ds(row0, _RPT), :],
                    out_hbm.at[cid, pl.ds(row0, _RPT), :])


def _t0_body(emb, feat, wa, wb, out):
    p = jnp.dot(emb[...], wa[...], preferred_element_type=jnp.float32)
    p = p + jnp.dot(feat[...], wb[...], preferred_element_type=jnp.float32)
    out[...] = p


def _t1_body(aggA, aggB, degA, degB, emb, feat, wsa, wsb, b0, wn1,
             h1_ref, p1_ref, recip_ref):
    deg = (degA[0] + degB[0])[:, 0:1]
    recip = 1.0 / jnp.maximum(deg, 1.0)
    agg = aggA[0] + aggB[0]
    hs = jnp.dot(emb[...], wsa[...], preferred_element_type=jnp.float32)
    hs = hs + jnp.dot(feat[...], wsb[...], preferred_element_type=jnp.float32)
    h1 = jnp.maximum(hs + agg * recip + b0[...], 0.0)
    h1_ref[...] = h1
    p1_ref[...] = jnp.dot(h1, wn1[...], preferred_element_type=jnp.float32)
    recip_ref[...] = jnp.broadcast_to(recip, (_R, 8))


def _t2_body(aggA, aggB, h1, recip8, ws1, b1, wn2, h2_ref, p2_ref):
    recip = recip8[...][:, 0:1]
    agg = aggA[0] + aggB[0]
    hs = jnp.dot(h1[...], ws1[...], preferred_element_type=jnp.float32)
    h2 = jnp.maximum(hs + agg * recip + b1[...], 0.0)
    h2_ref[...] = h2
    p2_ref[...] = jnp.dot(h2, wn2[...], preferred_element_type=jnp.float32)


def _t3_body(aggA, aggB, h2, recip8, ws2, b2, out_ref):
    recip = recip8[...][:, 0:1]
    agg = aggA[0] + aggB[0]
    hs = jnp.dot(h2[...], ws2[...], preferred_element_type=jnp.float32)
    out_ref[...] = hs + agg * recip + b2[...]


def _rows(w):
    return pl.BlockSpec((_R, w), lambda i: (i, 0))


def _part(k):
    return pl.BlockSpec((1, _R, 128), lambda i, _k=k: (_k, i, 0))


def _full(shape):
    return pl.BlockSpec(shape, lambda i: tuple(0 for _ in shape))


def _out(w):
    return jax.ShapeDtypeStruct((_N, w), jnp.float32)


_t0 = pl.pallas_call(
    _t0_body, grid=(_G,),
    in_specs=[_rows(128), _rows(128), _full((128, 128)), _full((128, 128))],
    out_specs=_rows(128), out_shape=_out(128))

_t1 = pl.pallas_call(
    _t1_body, grid=(_G,),
    in_specs=[_part(0), _part(1), _part(0), _part(1),
              _rows(128), _rows(128),
              _full((128, 128)), _full((128, 128)), _full((1, 128)),
              _full((128, 128))],
    out_specs=[_rows(128), _rows(128), _rows(8)],
    out_shape=[_out(128), _out(128), _out(8)])

_t2 = pl.pallas_call(
    _t2_body, grid=(_G,),
    in_specs=[_part(0), _part(1), _rows(128), _rows(8),
              _full((128, 128)), _full((1, 128)), _full((128, 128))],
    out_specs=[_rows(128), _rows(128)], out_shape=[_out(128), _out(128)])

_t3 = pl.pallas_call(
    _t3_body, grid=(_G,),
    in_specs=[_part(0), _part(1), _rows(128), _rows(8),
              _full((128, 128)), _full((1, 128))],
    out_specs=_rows(128), out_shape=_out(128))


@jax.jit
def _impl(node_id, features, edge_index, embedding,
          W_self0, W_neigh0, b0,
          W_self1, W_neigh1, b1,
          W_self2, W_neigh2, b2):
    pad = _EPTP - _EPT
    srcp = jnp.pad(edge_index[0].reshape(_NW, _EPT),
                   ((0, 0), (0, pad))).reshape(_NW * _EPTP)
    dstp = jnp.pad(edge_index[1].reshape(_NW, _EPT), ((0, 0), (0, pad)),
                   constant_values=_NPAD - 1)
    dst3 = dstp.reshape(_NW, _NCHUNK, _CHUNK)
    wna, wnb = W_neigh0[:128], W_neigh0[128:]
    wsa, wsb = W_self0[:128], W_self0[128:]
    zeros_blk = jnp.zeros((_ZR, _HID), jnp.float32)
    ones_blk = jnp.ones((_CHUNK, _HID), jnp.float32)

    degp = _degsum(dst3, ones_blk, zeros_blk)
    p0 = _t0(embedding, features, wna, wnb)
    agg0 = _segsum(srcp, dst3, zeros_blk, p0)

    h1, p1, recip8 = _t1(agg0, agg0, degp, degp,
                         embedding, features, wsa, wsb,
                         b0.reshape(1, 128), W_neigh1)
    agg1 = _segsum(srcp, dst3, zeros_blk, p1)

    wn2 = jnp.pad(W_neigh2, ((0, 0), (0, 88)))
    h2, p2 = _t2(agg1, agg1, h1, recip8,
                 W_self1, b1.reshape(1, 128), wn2)
    agg2 = _segsum(srcp, dst3, zeros_blk, p2)

    ws2 = jnp.pad(W_self2, ((0, 0), (0, 88)))
    b2p = jnp.pad(b2, (0, 88)).reshape(1, 128)
    out_full = _t3(agg2, agg2, h2, recip8, ws2, b2p)
    return out_full[:, :_CLS]


def kernel(node_id, features, edge_index, embedding,
           W_self0, W_neigh0, b0,
           W_self1, W_neigh1, b1,
           W_self2, W_neigh2, b2):
    return _impl(node_id, features, edge_index, embedding,
                 W_self0, W_neigh0, b0,
                 W_self1, W_neigh1, b1,
                 W_self2, W_neigh2, b2)

# --- scband reference (transcript-rebuilt; emitter-appended) ---
"""Pipeline reference for scband-graph-sage-62405874811051 (READ-ONLY COPY).

The authoritative reference and input builder live on the scoring server;
editing this copy changes nothing except your own understanding.
"""

import jax, jax.numpy as jnp
import numpy as np

N = 10000
E = 320000
EMB = 128
FEAT = 128
HID = 128
CLS = 40


def setup_inputs(seed: int = 0) -> dict:
    key = jax.random.key(seed)
    ks = jax.random.split(key, 12)
    node_id = jnp.arange(N, dtype=jnp.int32)
    features = jax.random.normal(ks[0], (N, FEAT), dtype=jnp.float32)
    edge_index = jax.random.randint(ks[1], (2, E), 0, N, dtype=jnp.int32)
    embedding = jax.random.normal(ks[2], (N, EMB), dtype=jnp.float32) * 0.02

    def lin(k, fi, fo):
        return jax.random.normal(k, (fi, fo), dtype=jnp.float32) / np.sqrt(fi)

    d0 = EMB + FEAT
    W_self0 = lin(ks[3], d0, HID)
    W_neigh0 = lin(ks[4], d0, HID)
    b0 = jnp.zeros((HID,), jnp.float32)
    W_self1 = lin(ks[5], HID, HID)
    W_neigh1 = lin(ks[6], HID, HID)
    b1 = jnp.zeros((HID,), jnp.float32)
    W_self2 = lin(ks[7], HID, CLS)
    W_neigh2 = lin(ks[8], HID, CLS)
    b2 = jnp.zeros((CLS,), jnp.float32)
    return {
        "node_id": node_id,
        "features": features,
        "edge_index": edge_index,
        "embedding": embedding,
        "W_self0": W_self0, "W_neigh0": W_neigh0, "b0": b0,
        "W_self1": W_self1, "W_neigh1": W_neigh1, "b1": b1,
        "W_self2": W_self2, "W_neigh2": W_neigh2, "b2": b2,
    }


def _sage_layer(h, src, dst, W_self, W_neigh, b, act):
    # DGL SAGEConv 'mean': h_neigh = mean over incoming edges of h[src]
    msg = h[src]  # gather [E, d]
    agg = jax.ops.segment_sum(msg, dst, num_segments=N)
    deg = jax.ops.segment_sum(jnp.ones((src.shape[0],), jnp.float32), dst, num_segments=N)
    h_neigh = agg / jnp.maximum(deg, 1.0)[:, None]
    out = h @ W_self + h_neigh @ W_neigh + b
    if act:
        out = jax.nn.relu(out)
    return out


def reference(node_id, features, edge_index, embedding,
              W_self0, W_neigh0, b0,
              W_self1, W_neigh1, b1,
              W_self2, W_neigh2, b2):
    src = edge_index[0]
    dst = edge_index[1]
    node_embeds = jnp.take(embedding, node_id, axis=0)
    h = jnp.concatenate([node_embeds, features], axis=1)
    h = _sage_layer(h, src, dst, W_self0, W_neigh0, b0, True)
    h = _sage_layer(h, src, dst, W_self1, W_neigh1, b1, True)
    h = _sage_layer(h, src, dst, W_self2, W_neigh2, b2, False)
    return h

if __name__ == "__main__":
    import jax
    _d = setup_inputs()
    print(jax.jit(kernel)(*tuple(_d.values())))

</pallas_src>

<mosaic_0001>
#map = affine_map<(d0, d1) -> (0)>
#map1 = affine_map<(d0, d1) -> (0, 0, 0)>
#map2 = affine_map<(d0, d1) -> (0, 0)>
module attributes {stable_mosaic.version = 14 : i64} {
  func.func @_segsum(%arg0: i32, %arg1: i32, %arg2: memref<320000xi32, #tpu.memory_space<hbm>>, %arg3: memref<32x125x80xi32, #tpu.memory_space<hbm>>, %arg4: memref<8x128xf32, #tpu.memory_space<hbm>>, %arg5: memref<10000x128xf32, #tpu.memory_space<hbm>>, %arg6: memref<2x10240x128xf32, #tpu.memory_space<hbm>>, %arg7: memref<10000xi32, #tpu.memory_space<vmem>>, %arg8: memref<125x80xi32, #tpu.memory_space<vmem>>, %arg9: memref<80x128xf32, #tpu.memory_space<vmem>>, %arg10: memref<80x128xf32, #tpu.memory_space<vmem>>, %arg11: memref<8x128xf32, #tpu.memory_space<vmem>>, %arg12: memref<10240x128xf32, #tpu.memory_space<vmem_shared>>, %arg13: memref<!tpu.dma_semaphore, #tpu.memory_space<semaphore_mem>>, %arg14: memref<!tpu.dma_semaphore, #tpu.memory_space<semaphore_mem>>) attributes {dimension_semantics = [#tpu.dimension_semantics<core_parallel>, #tpu.dimension_semantics<subcore_parallel>], iteration_bounds = array<i64: 2, 16>, scalar_prefetch = 0 : i64, scratch_operands = 8 : i64, tpu.core_type = #tpu.core_type<sc_vector_subcore>, window_params = [{transform_indices = #map}, {transform_indices = #map1}, {transform_indices = #map2}, {transform_indices = #map2}, {transform_indices = #map1}]} {
    %mul3A = arith.constant 2 : i32
    %mul3A_0 = arith.muli %arg1, %mul3A : i32
    %add3A = arith.addi %mul3A_0, %arg0 : i32
    %mul3A_1 = arith.constant 10000 : i32
    %mul3A_2 = arith.muli %add3A, %mul3A_1 : i32
    "tpu.region"() ({
      %run_scoped3A_30 = tpu.sem_alloc : memref<!tpu.dma_semaphore, #tpu.memory_space<semaphore_mem>>
      %dma_start3A_31 = tpu.memref_slice %arg2[%mul3A_2] : memref<320000xi32, #tpu.memory_space<hbm>> -> memref<10000xi32, #tpu.memory_space<hbm>>
      %dma_start3A_32 = tpu.memref_slice %arg2[%mul3A_2] : memref<320000xi32, #tpu.memory_space<hbm>> -> memref<10000xi32, #tpu.memory_space<hbm>>
      tpu.enqueue_dma source(%dma_start3A_32 : memref<10000xi32, #tpu.memory_space<hbm>>) target(%arg7 : memref<10000xi32, #tpu.memory_space<vmem>>) target_semaphore(%run_scoped3A_30 : memref<!tpu.dma_semaphore, #tpu.memory_space<semaphore_mem>>)
      %dma_wait3A_33 = tpu.memref_slice %arg2[%mul3A_2] : memref<320000xi32, #tpu.memory_space<hbm>> -> memref<10000xi32, #tpu.memory_space<hbm>>
      %dma_wait3A_34 = tpu.memref_slice %arg2[%mul3A_2] : memref<320000xi32, #tpu.memory_space<hbm>> -> memref<10000xi32, #tpu.memory_space<hbm>>
      tpu.wait_dma2 semaphore(%run_scoped3A_30 : memref<!tpu.dma_semaphore, #tpu.memory_space<semaphore_mem>>) src(%dma_wait3A_34 : memref<10000xi32, #tpu.memory_space<hbm>>) dst(%arg7 : memref<10000xi32, #tpu.memory_space<vmem>>)
      tpu.yield
    }) : () -> ()
    "tpu.region"() ({
      %run_scoped3A_30 = tpu.sem_alloc : memref<!tpu.dma_semaphore, #tpu.memory_space<semaphore_mem>>
      %dma_start3A_31 = arith.constant 0 : i32
      %dma_start3A_32 = arith.constant 0 : i32
      %dma_start3A_33 = tpu.memref_slice %arg3[%add3A, %dma_start3A_31, %dma_start3A_32] : memref<32x125x80xi32, #tpu.memory_space<hbm>> -> memref<1x125x80xi32, #tpu.memory_space<hbm>>
      %dma_start3A_34 = tpu.memref_squeeze %dma_start3A_33 : memref<1x125x80xi32, #tpu.memory_space<hbm>> -> memref<125x80xi32, #tpu.memory_space<hbm>>
      %dma_start3A_35 = arith.constant 0 : i32
      %dma_start3A_36 = arith.constant 0 : i32
      %dma_start3A_37 = tpu.memref_slice %arg3[%add3A, %dma_start3A_35, %dma_start3A_36] : memref<32x125x80xi32, #tpu.memory_space<hbm>> -> memref<1x125x80xi32, #tpu.memory_space<hbm>>
      %dma_start3A_38 = tpu.memref_squeeze %dma_start3A_37 : memref<1x125x80xi32, #tpu.memory_space<hbm>> -> memref<125x80xi32, #tpu.memory_space<hbm>>
      tpu.enqueue_dma source(%dma_start3A_38 : memref<125x80xi32, #tpu.memory_space<hbm>>) target(%arg8 : memref<125x80xi32, #tpu.memory_space<vmem>>) target_semaphore(%run_scoped3A_30 : memref<!tpu.dma_semaphore, #tpu.memory_space<semaphore_mem>>)
      %dma_wait3A_39 = arith.constant 0 : i32
      %dma_wait3A_40 = arith.constant 0 : i32
      %dma_wait3A_41 = tpu.memref_slice %arg3[%add3A, %dma_wait3A_39, %dma_wait3A_40] : memref<32x125x80xi32, #tpu.memory_space<hbm>> -> memref<1x125x80xi32, #tpu.memory_space<hbm>>
      %dma_wait3A_42 = tpu.memref_squeeze %dma_wait3A_41 : memref<1x125x80xi32, #tpu.memory_space<hbm>> -> memref<125x80xi32, #tpu.memory_space<hbm>>
      %dma_wait3A_43 = arith.constant 0 : i32
      %dma_wait3A_44 = arith.constant 0 : i32
      %dma_wait3A_45 = tpu.memref_slice %arg3[%add3A, %dma_wait3A_43, %dma_wait3A_44] : memref<32x125x80xi32, #tpu.memory_space<hbm>> -> memref<1x125x80xi32, #tpu.memory_space<hbm>>
      %dma_wait3A_46 = tpu.memref_squeeze %dma_wait3A_45 : memref<1x125x80xi32, #tpu.memory_space<hbm>> -> memref<125x80xi32, #tpu.memory_space<hbm>>
      tpu.wait_dma2 semaphore(%run_scoped3A_30 : memref<!tpu.dma_semaphore, #tpu.memory_space<semaphore_mem>>) src(%dma_wait3A_46 : memref<125x80xi32, #tpu.memory_space<hbm>>) dst(%arg8 : memref<125x80xi32, #tpu.memory_space<vmem>>)
      tpu.yield
    }) : () -> ()
    "tpu.region"() ({
      %run_scoped3A_30 = tpu.sem_alloc : memref<!tpu.dma_semaphore, #tpu.memory_space<semaphore_mem>>
      tpu.enqueue_dma source(%arg4 : memref<8x128xf32, #tpu.memory_space<hbm>>) target(%arg11 : memref<8x128xf32, #tpu.memory_space<vmem>>) target_semaphore(%run_scoped3A_30 : memref<!tpu.dma_semaphore, #tpu.memory_space<semaphore_mem>>)
      tpu.wait_dma2 semaphore(%run_scoped3A_30 : memref<!tpu.dma_semaphore, #tpu.memory_space<semaphore_mem>>) src(%arg4 : memref<8x128xf32, #tpu.memory_space<hbm>>) dst(%arg11 : memref<8x128xf32, #tpu.memory_space<vmem>>)
      tpu.yield
    }) : () -> ()
    %mul3A_3 = arith.constant 640 : i32
    %mul3A_4 = arith.muli %arg1, %mul3A_3 : i32
    %scan3A = arith.constant 0 : i32
    %scan3A_5 = arith.constant 0 : i32
    %scan3A_6 = arith.constant 80 : i32
    %scan3A_7 = arith.addi %scan3A_5, %scan3A_6 : i32
    %scan3A_8 = arith.constant 1 : i32
    scf.for %scan3A_30 = %scan3A_5 to %scan3A_7 step %scan3A_8  : i32 {
      %mul3A_31 = arith.constant 8 : i32
      %mul3A_32 = arith.muli %scan3A_30, %mul3A_31 : i32
      %add3A_33 = arith.addi %mul3A_4, %mul3A_32 : i32
      "tpu.region"() ({
        %run_scoped3A_34 = tpu.sem_alloc : memref<!tpu.dma_semaphore, #tpu.memory_space<semaphore_mem>>
        %dma_start3A_35 = arith.constant 0 : i32
        %dma_start3A_36 = tpu.memref_slice %arg12[%add3A_33, %dma_start3A_35] : memref<10240x128xf32, #tpu.memory_space<vmem_shared>> -> memref<8x128xf32, #tpu.memory_space<vmem_shared>>
        %dma_start3A_37 = arith.constant 0 : i32
        %dma_start3A_38 = tpu.memref_slice %arg12[%add3A_33, %dma_start3A_37] : memref<10240x128xf32, #tpu.memory_space<vmem_shared>> -> memref<8x128xf32, #tpu.memory_space<vmem_shared>>
        tpu.enqueue_dma source(%arg11 : memref<8x128xf32, #tpu.memory_space<vmem>>) target(%dma_start3A_38 : memref<8x128xf32, #tpu.memory_space<vmem_shared>>) target_semaphore(%run_scoped3A_34 : memref<!tpu.dma_semaphore, #tpu.memory_space<semaphore_mem>>)
        %dma_wait3A_39 = arith.constant 0 : i32
        %dma_wait3A_40 = tpu.memref_slice %arg12[%add3A_33, %dma_wait3A_39] : memref<10240x128xf32, #tpu.memory_space<vmem_shared>> -> memref<8x128xf32, #tpu.memory_space<vmem_shared>>
        %dma_wait3A_41 = arith.constant 0 : i32
        %dma_wait3A_42 = tpu.memref_slice %arg12[%add3A_33, %dma_wait3A_41] : memref<10240x128xf32, #tpu.memory_space<vmem_shared>> -> memref<8x128xf32, #tpu.memory_space<vmem_shared>>
        tpu.wait_dma2 semaphore(%run_scoped3A_34 : memref<!tpu.dma_semaphore, #tpu.memory_space<semaphore_mem>>) src(%arg11 : memref<8x128xf32, #tpu.memory_space<vmem>>) dst(%dma_wait3A_42 : memref<8x128xf32, #tpu.memory_space<vmem_shared>>)
        tpu.yield
      }) : () -> ()
    }
    %scan3A_9 = arith.constant 80 : i32
    %barrier3A = arith.constant 0 : index
    tpu.barrier barrier_id(%barrier3A)
    %dma_start3A = arith.constant 0 : i32
    %dma_start3A_10 = tpu.memref_slice %arg7[%dma_start3A] : memref<10000xi32, #tpu.memory_space<vmem>> -> memref<80xi32, #tpu.memory_space<vmem>>
    %dma_start3A_11 = arith.constant 0 : i32
    %dma_start3A_12 = arith.constant 0 : i32
    %dma_start3A_13 = tpu.memref_slice %arg5[%dma_start3A_11, %dma_start3A_12] : memref<10000x128xf32, #tpu.memory_space<hbm>> -> memref<10000x128xf32, #tpu.memory_space<hbm>>
    tpu.enqueue_indirect_dma source(%dma_start3A_13 : memref<10000x128xf32, #tpu.memory_space<hbm>>) target(%arg9 : memref<80x128xf32, #tpu.memory_space<vmem>>) offsets(%dma_start3A_10 : memref<80xi32, #tpu.memory_space<vmem>>) semaphore(%arg13 : memref<!tpu.dma_semaphore, #tpu.memory_space<semaphore_mem>>)
    %dma_start3A_14 = arith.constant 80 : i32
    %dma_start3A_15 = tpu.memref_slice %arg7[%dma_start3A_14] : memref<10000xi32, #tpu.memory_space<vmem>> -> memref<80xi32, #tpu.memory_space<vmem>>
    %dma_start3A_16 = arith.constant 0 : i32
    %dma_start3A_17 = arith.constant 0 : i32
    %dma_start3A_18 = tpu.memref_slice %arg5[%dma_start3A_16, %dma_start3A_17] : memref<10000x128xf32, #tpu.memory_space<hbm>> -> memref<10000x128xf32, #tpu.memory_space<hbm>>
    tpu.enqueue_indirect_dma source(%dma_start3A_18 : memref<10000x128xf32, #tpu.memory_space<hbm>>) target(%arg10 : memref<80x128xf32, #tpu.memory_space<vmem>>) offsets(%dma_start3A_15 : memref<80xi32, #tpu.memory_space<vmem>>) semaphore(%arg14 : memref<!tpu.dma_semaphore, #tpu.memory_space<semaphore_mem>>)
    %scan3A_19 = arith.constant 0 : i32
    %scan3A_20 = arith.constant 0 : i32
    %scan3A_21 = arith.constant 62 : i32
    %scan3A_22 = arith.addi %scan3A_20, %scan3A_21 : i32
    %scan3A_23 = arith.constant 1 : i32
    scf.for %scan3A_30 = %scan3A_20 to %scan3A_22 step %scan3A_23  : i32 {
      %mul3A_31 = arith.constant 2 : i32
      %mul3A_32 = arith.muli %mul3A_31, %scan3A_30 : i32
      %mul3A_33 = arith.constant 80 : i32
      %mul3A_34 = arith.muli %mul3A_32, %mul3A_33 : i32
      %dma_wait3A_35 = tpu.memref_slice %arg7[%mul3A_34] : memref<10000xi32, #tpu.memory_space<vmem>> -> memref<80xi32, #tpu.memory_space<vmem>>
      %dma_wait3A_36 = arith.constant 0 : i32
      %dma_wait3A_37 = arith.constant 0 : i32
      %dma_wait3A_38 = tpu.memref_slice %arg5[%dma_wait3A_36, %dma_wait3A_37] : memref<10000x128xf32, #tpu.memory_space<hbm>> -> memref<10000x128xf32, #tpu.memory_space<hbm>>
      tpu.wait_indirect_dma semaphore(%arg13 : memref<!tpu.dma_semaphore, #tpu.memory_space<semaphore_mem>>) src(%dma_wait3A_38 : memref<10000x128xf32, #tpu.memory_space<hbm>>) dst(%arg9 : memref<80x128xf32, #tpu.memory_space<vmem>>)
      "tpu.region"() ({
        %run_scoped3A_60 = tpu.sem_alloc : memref<!tpu.dma_semaphore, #tpu.memory_space<semaphore_mem>>
        %dma_start3A_61 = arith.constant 0 : i32
        %dma_start3A_62 = tpu.memref_slice %arg8[%mul3A_32, %dma_start3A_61] : memref<125x80xi32, #tpu.memory_space<vmem>> -> memref<1x80xi32, #tpu.memory_space<vmem>>
        %dma_start3A_63 = tpu.memref_squeeze %dma_start3A_62 : memref<1x80xi32, #tpu.memory_space<vmem>> -> memref<80xi32, #tpu.memory_space<vmem>>
        %dma_start3A_64 = arith.constant 0 : i32
        %dma_start3A_65 = arith.constant 0 : i32
        %dma_start3A_66 = tpu.memref_slice %arg12[%dma_start3A_64, %dma_start3A_65] : memref<10240x128xf32, #tpu.memory_space<vmem_shared>> -> memref<10240x128xf32, #tpu.memory_space<vmem_shared>>
        tpu.enqueue_indirect_dma source(%arg9 : memref<80x128xf32, #tpu.memory_space<vmem>>) target(%dma_start3A_66 : memref<10240x128xf32, #tpu.memory_space<vmem_shared>>) offsets(%dma_start3A_63 : memref<80xi32, #tpu.memory_space<vmem>>) semaphore(%run_scoped3A_60 : memref<!tpu.dma_semaphore, #tpu.memory_space<semaphore_mem>>) {add = true}
        %dma_wait3A_67 = arith.constant 0 : i32
        %dma_wait3A_68 = tpu.memref_slice %arg8[%mul3A_32, %dma_wait3A_67] : memref<125x80xi32, #tpu.memory_space<vmem>> -> memref<1x80xi32, #tpu.memory_space<vmem>>
        %dma_wait3A_69 = tpu.memref_squeeze %dma_wait3A_68 : memref<1x80xi32, #tpu.memory_space<vmem>> -> memref<80xi32, #tpu.memory_space<vmem>>
        %dma_wait3A_70 = arith.constant 0 : i32
        %dma_wait3A_71 = arith.constant 0 : i32
        %dma_wait3A_72 = tpu.memref_slice %arg12[%dma_wait3A_70, %dma_wait3A_71] : memref<10240x128xf32, #tpu.memory_space<vmem_shared>> -> memref<10240x128xf32, #tpu.memory_space<vmem_shared>>
        tpu.wait_indirect_dma semaphore(%run_scoped3A_60 : memref<!tpu.dma_semaphore, #tpu.memory_space<semaphore_mem>>) src(%arg9 : memref<80x128xf32, #tpu.memory_space<vmem>>) dst(%dma_wait3A_72 : memref<10240x128xf32, #tpu.memory_space<vmem_shared>>)
        tpu.yield
      }) : () -> ()
      %add3A_39 = arith.constant 2 : i32
      %add3A_40 = arith.addi %mul3A_32, %add3A_39 : i32
      %lt3A = arith.constant 125 : i32
      %lt3A_41 = arith.cmpi slt, %add3A_40, %lt3A : i32
      %convert_element_type3A = arith.extui %lt3A_41 : i1 to i32
      %cond3A = arith.constant 0 : i32
      %cond3A_42 = arith.cmpi ne, %convert_element_type3A, %cond3A : i32
      scf.if %cond3A_42 {
        %add3A_60 = arith.constant 2 : i32
        %add3A_61 = arith.addi %mul3A_32, %add3A_60 : i32
        %mul3A_62 = arith.constant 80 : i32
        %mul3A_63 = arith.muli %add3A_61, %mul3A_62 : i32
        %dma_start3A_64 = tpu.memref_slice %arg7[%mul3A_63] : memref<10000xi32, #tpu.memory_space<vmem>> -> memref<80xi32, #tpu.memory_space<vmem>>
        %dma_start3A_65 = arith.constant 0 : i32
        %dma_start3A_66 = arith.constant 0 : i32
        %dma_start3A_67 = tpu.memref_slice %arg5[%dma_start3A_65, %dma_start3A_66] : memref<10000x128xf32, #tpu.memory_space<hbm>> -> memref<10000x128xf32, #tpu.memory_space<hbm>>
        tpu.enqueue_indirect_dma source(%dma_start3A_67 : memref<10000x128xf32, #tpu.memory_space<hbm>>) target(%arg9 : memref<80x128xf32, #tpu.memory_space<vmem>>) offsets(%dma_start3A_64 : memref<80xi32, #tpu.memory_space<vmem>>) semaphore(%arg13 : memref<!tpu.dma_semaphore, #tpu.memory_space<semaphore_mem>>)
      } else {
      }
      %add3A_43 = arith.constant 1 : i32
      %add3A_44 = arith.addi %mul3A_32, %add3A_43 : i32
      %mul3A_45 = arith.constant 80 : i32
      %mul3A_46 = arith.muli %add3A_44, %mul3A_45 : i32
      %dma_wait3A_47 = tpu.memref_slice %arg7[%mul3A_46] : memref<10000xi32, #tpu.memory_space<vmem>> -> memref<80xi32, #tpu.memory_space<vmem>>
      %dma_wait3A_48 = arith.constant 0 : i32
      %dma_wait3A_49 = arith.constant 0 : i32
      %dma_wait3A_50 = tpu.memref_slice %arg5[%dma_wait3A_48, %dma_wait3A_49] : memref<10000x128xf32, #tpu.memory_space<hbm>> -> memref<10000x128xf32, #tpu.memory_space<hbm>>
      tpu.wait_indirect_dma semaphore(%arg14 : memref<!tpu.dma_semaphore, #tpu.memory_space<semaphore_mem>>) src(%dma_wait3A_50 : memref<10000x128xf32, #tpu.memory_space<hbm>>) dst(%arg10 : memref<80x128xf32, #tpu.memory_space<vmem>>)
      %add3A_51 = arith.constant 1 : i32
      %add3A_52 = arith.addi %mul3A_32, %add3A_51 : i32
      "tpu.region"() ({
        %run_scoped3A_60 = tpu.sem_alloc : memref<!tpu.dma_semaphore, #tpu.memory_space<semaphore_mem>>
        %dma_start3A_61 = arith.constant 0 : i32
        %dma_start3A_62 = tpu.memref_slice %arg8[%add3A_52, %dma_start3A_61] : memref<125x80xi32, #tpu.memory_space<vmem>> -> memref<1x80xi32, #tpu.memory_space<vmem>>
        %dma_start3A_63 = tpu.memref_squeeze %dma_start3A_62 : memref<1x80xi32, #tpu.memory_space<vmem>> -> memref<80xi32, #tpu.memory_space<vmem>>
        %dma_start3A_64 = arith.constant 0 : i32
        %dma_start3A_65 = arith.constant 0 : i32
        %dma_start3A_66 = tpu.memref_slice %arg12[%dma_start3A_64, %dma_start3A_65] : memref<10240x128xf32, #tpu.memory_space<vmem_shared>> -> memref<10240x128xf32, #tpu.memory_space<vmem_shared>>
        tpu.enqueue_indirect_dma source(%arg10 : memref<80x128xf32, #tpu.memory_space<vmem>>) target(%dma_start3A_66 : memref<10240x128xf32, #tpu.memory_space<vmem_shared>>) offsets(%dma_start3A_63 : memref<80xi32, #tpu.memory_space<vmem>>) semaphore(%run_scoped3A_60 : memref<!tpu.dma_semaphore, #tpu.memory_space<semaphore_mem>>) {add = true}
        %dma_wait3A_67 = arith.constant 0 : i32
        %dma_wait3A_68 = tpu.memref_slice %arg8[%add3A_52, %dma_wait3A_67] : memref<125x80xi32, #tpu.memory_space<vmem>> -> memref<1x80xi32, #tpu.memory_space<vmem>>
        %dma_wait3A_69 = tpu.memref_squeeze %dma_wait3A_68 : memref<1x80xi32, #tpu.memory_space<vmem>> -> memref<80xi32, #tpu.memory_space<vmem>>
        %dma_wait3A_70 = arith.constant 0 : i32
        %dma_wait3A_71 = arith.constant 0 : i32
        %dma_wait3A_72 = tpu.memref_slice %arg12[%dma_wait3A_70, %dma_wait3A_71] : memref<10240x128xf32, #tpu.memory_space<vmem_shared>> -> memref<10240x128xf32, #tpu.memory_space<vmem_shared>>
        tpu.wait_indirect_dma semaphore(%run_scoped3A_60 : memref<!tpu.dma_semaphore, #tpu.memory_space<semaphore_mem>>) src(%arg10 : memref<80x128xf32, #tpu.memory_space<vmem>>) dst(%dma_wait3A_72 : memref<10240x128xf32, #tpu.memory_space<vmem_shared>>)
        tpu.yield
      }) : () -> ()
      %add3A_53 = arith.constant 3 : i32
      %add3A_54 = arith.addi %mul3A_32, %add3A_53 : i32
      %lt3A_55 = arith.constant 125 : i32
      %lt3A_56 = arith.cmpi slt, %add3A_54, %lt3A_55 : i32
      %convert_element_type3A_57 = arith.extui %lt3A_56 : i1 to i32
      %cond3A_58 = arith.constant 0 : i32
      %cond3A_59 = arith.cmpi ne, %convert_element_type3A_57, %cond3A_58 : i32
      scf.if %cond3A_59 {
        %add3A_60 = arith.constant 3 : i32
        %add3A_61 = arith.addi %mul3A_32, %add3A_60 : i32
        %mul3A_62 = arith.constant 80 : i32
        %mul3A_63 = arith.muli %add3A_61, %mul3A_62 : i32
        %dma_start3A_64 = tpu.memref_slice %arg7[%mul3A_63] : memref<10000xi32, #tpu.memory_space<vmem>> -> memref<80xi32, #tpu.memory_space<vmem>>
        %dma_start3A_65 = arith.constant 0 : i32
        %dma_start3A_66 = arith.constant 0 : i32
        %dma_start3A_67 = tpu.memref_slice %arg5[%dma_start3A_65, %dma_start3A_66] : memref<10000x128xf32, #tpu.memory_space<hbm>> -> memref<10000x128xf32, #tpu.memory_space<hbm>>
        tpu.enqueue_indirect_dma source(%dma_start3A_67 : memref<10000x128xf32, #tpu.memory_space<hbm>>) target(%arg10 : memref<80x128xf32, #tpu.memory_space<vmem>>) offsets(%dma_start3A_64 : memref<80xi32, #tpu.memory_space<vmem>>) semaphore(%arg14 : memref<!tpu.dma_semaphore, #tpu.memory_space<semaphore_mem>>)
      } else {
      }
    }
    %scan3A_24 = arith.constant 62 : i32
    %dma_wait3A = arith.constant 9920 : i32
    %dma_wait3A_25 = tpu.memref_slice %arg7[%dma_wait3A] : memref<10000xi32, #tpu.memory_space<vmem>> -> memref<80xi32, #tpu.memory_space<vmem>>
    %dma_wait3A_26 = arith.constant 0 : i32
    %dma_wait3A_27 = arith.constant 0 : i32
    %dma_wait3A_28 = tpu.memref_slice %arg5[%dma_wait3A_26, %dma_wait3A_27] : memref<10000x128xf32, #tpu.memory_space<hbm>> -> memref<10000x128xf32, #tpu.memory_space<hbm>>
    tpu.wait_indirect_dma semaphore(%arg13 : memref<!tpu.dma_semaphore, #tpu.memory_space<semaphore_mem>>) src(%dma_wait3A_28 : memref<10000x128xf32, #tpu.memory_space<hbm>>) dst(%arg9 : memref<80x128xf32, #tpu.memory_space<vmem>>)
    %run_scoped3A = arith.constant 124 : i32
    "tpu.region"() ({
      %run_scoped3A_30 = tpu.sem_alloc : memref<!tpu.dma_semaphore, #tpu.memory_space<semaphore_mem>>
      %dma_start3A_31 = arith.constant 0 : i32
      %dma_start3A_32 = tpu.memref_slice %arg8[%run_scoped3A, %dma_start3A_31] : memref<125x80xi32, #tpu.memory_space<vmem>> -> memref<1x80xi32, #tpu.memory_space<vmem>>
      %dma_start3A_33 = tpu.memref_squeeze %dma_start3A_32 : memref<1x80xi32, #tpu.memory_space<vmem>> -> memref<80xi32, #tpu.memory_space<vmem>>
      %dma_start3A_34 = arith.constant 0 : i32
      %dma_start3A_35 = arith.constant 0 : i32
      %dma_start3A_36 = tpu.memref_slice %arg12[%dma_start3A_34, %dma_start3A_35] : memref<10240x128xf32, #tpu.memory_space<vmem_shared>> -> memref<10240x128xf32, #tpu.memory_space<vmem_shared>>
      tpu.enqueue_indirect_dma source(%arg9 : memref<80x128xf32, #tpu.memory_space<vmem>>) target(%dma_start3A_36 : memref<10240x128xf32, #tpu.memory_space<vmem_shared>>) offsets(%dma_start3A_33 : memref<80xi32, #tpu.memory_space<vmem>>) semaphore(%run_scoped3A_30 : memref<!tpu.dma_semaphore, #tpu.memory_space<semaphore_mem>>) {add = true}
      %dma_wait3A_37 = arith.constant 0 : i32
      %dma_wait3A_38 = tpu.memref_slice %arg8[%run_scoped3A, %dma_wait3A_37] : memref<125x80xi32, #tpu.memory_space<vmem>> -> memref<1x80xi32, #tpu.memory_space<vmem>>
      %dma_wait3A_39 = tpu.memref_squeeze %dma_wait3A_38 : memref<1x80xi32, #tpu.memory_space<vmem>> -> memref<80xi32, #tpu.memory_space<vmem>>
      %dma_wait3A_40 = arith.constant 0 : i32
      %dma_wait3A_41 = arith.constant 0 : i32
      %dma_wait3A_42 = tpu.memref_slice %arg12[%dma_wait3A_40, %dma_wait3A_41] : memref<10240x128xf32, #tpu.memory_space<vmem_shared>> -> memref<10240x128xf32, #tpu.memory_space<vmem_shared>>
      tpu.wait_indirect_dma semaphore(%run_scoped3A_30 : memref<!tpu.dma_semaphore, #tpu.memory_space<semaphore_mem>>) src(%arg9 : memref<80x128xf32, #tpu.memory_space<vmem>>) dst(%dma_wait3A_42 : memref<10240x128xf32, #tpu.memory_space<vmem_shared>>)
      tpu.yield
    }) : () -> ()
    %barrier3A_29 = arith.constant 0 : index
    tpu.barrier barrier_id(%barrier3A_29)
    "tpu.region"() ({
      %run_scoped3A_30 = tpu.sem_alloc : memref<!tpu.dma_semaphore, #tpu.memory_space<semaphore_mem>>
      %dma_start3A_31 = arith.constant 0 : i32
      %dma_start3A_32 = tpu.memref_slice %arg6[%arg0, %mul3A_4, %dma_start3A_31] : memref<2x10240x128xf32, #tpu.memory_space<hbm>> -> memref<1x640x128xf32, #tpu.memory_space<hbm>>
      %dma_start3A_33 = tpu.memref_squeeze %dma_start3A_32 : memref<1x640x128xf32, #tpu.memory_space<hbm>> -> memref<640x128xf32, #tpu.memory_space<hbm>>
      %dma_start3A_34 = arith.constant 0 : i32
      %dma_start3A_35 = tpu.memref_slice %arg12[%mul3A_4, %dma_start3A_34] : memref<10240x128xf32, #tpu.memory_space<vmem_shared>> -> memref<640x128xf32, #tpu.memory_space<vmem_shared>>
      tpu.enqueue_dma source(%dma_start3A_35 : memref<640x128xf32, #tpu.memory_space<vmem_shared>>) target(%dma_start3A_33 : memref<640x128xf32, #tpu.memory_space<hbm>>) target_semaphore(%run_scoped3A_30 : memref<!tpu.dma_semaphore, #tpu.memory_space<semaphore_mem>>)
      %dma_wait3A_36 = arith.constant 0 : i32
      %dma_wait3A_37 = tpu.memref_slice %arg6[%arg0, %mul3A_4, %dma_wait3A_36] : memref<2x10240x128xf32, #tpu.memory_space<hbm>> -> memref<1x640x128xf32, #tpu.memory_space<hbm>>
      %dma_wait3A_38 = tpu.memref_squeeze %dma_wait3A_37 : memref<1x640x128xf32, #tpu.memory_space<hbm>> -> memref<640x128xf32, #tpu.memory_space<hbm>>
      %dma_wait3A_39 = arith.constant 0 : i32
      %dma_wait3A_40 = tpu.memref_slice %arg12[%mul3A_4, %dma_wait3A_39] : memref<10240x128xf32, #tpu.memory_space<vmem_shared>> -> memref<640x128xf32, #tpu.memory_space<vmem_shared>>
      tpu.wait_dma2 semaphore(%run_scoped3A_30 : memref<!tpu.dma_semaphore, #tpu.memory_space<semaphore_mem>>) src(%dma_wait3A_40 : memref<640x128xf32, #tpu.memory_space<vmem_shared>>) dst(%dma_wait3A_38 : memref<640x128xf32, #tpu.memory_space<hbm>>)
      tpu.yield
    }) : () -> ()
    return
  }
}

#map = affine_map<(d0, d1) -> (0)>
#map1 = affine_map<(d0, d1) -> (0, 0, 0)>
#map2 = affine_map<(d0, d1) -> (0, 0)>
module attributes {stable_mosaic.version = 14 : i64} {
  func.func @_segsum(%arg0: i32, %arg1: i32, %arg2: memref<320000xi32, #tpu.memory_space<hbm>>, %arg3: memref<32x125x80xi32, #tpu.memory_space<hbm>>, %arg4: memref<8x128xf32, #tpu.memory_space<hbm>>, %arg5: memref<10000x128xf32, #tpu.memory_space<hbm>>, %arg6: memref<2x10240x128xf32, #tpu.memory_space<hbm>>, %arg7: memref<10000xi32, #tpu.memory_space<vmem>>, %arg8: memref<125x80xi32, #tpu.memory_space<vmem>>, %arg9: memref<80x128xf32, #tpu.memory_space<vmem>>, %arg10: memref<80x128xf32, #tpu.memory_space<vmem>>, %arg11: memref<8x128xf32, #tpu.memory_space<vmem>>, %arg12: memref<10240x128xf32, #tpu.memory_space<vmem_shared>>, %arg13: memref<!tpu.dma_semaphore, #tpu.memory_space<semaphore_mem>>, %arg14: memref<!tpu.dma_semaphore, #tpu.memory_space<semaphore_mem>>) attributes {dimension_semantics = [#tpu.dimension_semantics<core_parallel>, #tpu.dimension_semantics<subcore_parallel>], iteration_bounds = array<i64: 2, 16>, scalar_prefetch = 0 : i64, scratch_operands = 8 : i64, tpu.core_type = #tpu.core_type<sc_vector_subcore>, window_params = [{transform_indices = #map}, {transform_indices = #map1}, {transform_indices = #map2}, {transform_indices = #map2}, {transform_indices = #map1}]} {
    %mul3A = arith.constant 2 : i32
    %mul3A_0 = arith.muli %arg1, %mul3A : i32
    %add3A = arith.addi %mul3A_0, %arg0 : i32
    %mul3A_1 = arith.constant 10000 : i32
    %mul3A_2 = arith.muli %add3A, %mul3A_1 : i32
    "tpu.region"() ({
      %run_scoped3A_30 = tpu.sem_alloc : memref<!tpu.dma_semaphore, #tpu.memory_space<semaphore_mem>>
      %dma_start3A_31 = tpu.memref_slice %arg2[%mul3A_2] : memref<320000xi32, #tpu.memory_space<hbm>> -> memref<10000xi32, #tpu.memory_space<hbm>>
      %dma_start3A_32 = tpu.memref_slice %arg2[%mul3A_2] : memref<320000xi32, #tpu.memory_space<hbm>> -> memref<10000xi32, #tpu.memory_space<hbm>>
      tpu.enqueue_dma source(%dma_start3A_32 : memref<10000xi32, #tpu.memory_space<hbm>>) target(%arg7 : memref<10000xi32, #tpu.memory_space<vmem>>) target_semaphore(%run_scoped3A_30 : memref<!tpu.dma_semaphore, #tpu.memory_space<semaphore_mem>>)
      %dma_wait3A_33 = tpu.memref_slice %arg2[%mul3A_2] : memref<320000xi32, #tpu.memory_space<hbm>> -> memref<10000xi32, #tpu.memory_space<hbm>>
      %dma_wait3A_34 = tpu.memref_slice %arg2[%mul3A_2] : memref<320000xi32, #tpu.memory_space<hbm>> -> memref<10000xi32, #tpu.memory_space<hbm>>
      tpu.wait_dma2 semaphore(%run_scoped3A_30 : memref<!tpu.dma_semaphore, #tpu.memory_space<semaphore_mem>>) src(%dma_wait3A_34 : memref<10000xi32, #tpu.memory_space<hbm>>) dst(%arg7 : memref<10000xi32, #tpu.memory_space<vmem>>)
      tpu.yield
    }) : () -> ()
    "tpu.region"() ({
      %run_scoped3A_30 = tpu.sem_alloc : memref<!tpu.dma_semaphore, #tpu.memory_space<semaphore_mem>>
      %dma_start3A_31 = arith.constant 0 : i32
      %dma_start3A_32 = arith.constant 0 : i32
      %dma_start3A_33 = tpu.memref_slice %arg3[%add3A, %dma_start3A_31, %dma_start3A_32] : memref<32x125x80xi32, #tpu.memory_space<hbm>> -> memref<1x125x80xi32, #tpu.memory_space<hbm>>
      %dma_start3A_34 = tpu.memref_squeeze %dma_start3A_33 : memref<1x125x80xi32, #tpu.memory_space<hbm>> -> memref<125x80xi32, #tpu.memory_space<hbm>>
      %dma_start3A_35 = arith.constant 0 : i32
      %dma_start3A_36 = arith.constant 0 : i32
      %dma_start3A_37 = tpu.memref_slice %arg3[%add3A, %dma_start3A_35, %dma_start3A_36] : memref<32x125x80xi32, #tpu.memory_space<hbm>> -> memref<1x125x80xi32, #tpu.memory_space<hbm>>
      %dma_start3A_38 = tpu.memref_squeeze %dma_start3A_37 : memref<1x125x80xi32, #tpu.memory_space<hbm>> -> memref<125x80xi32, #tpu.memory_space<hbm>>
      tpu.enqueue_dma source(%dma_start3A_38 : memref<125x80xi32, #tpu.memory_space<hbm>>) target(%arg8 : memref<125x80xi32, #tpu.memory_space<vmem>>) target_semaphore(%run_scoped3A_30 : memref<!tpu.dma_semaphore, #tpu.memory_space<semaphore_mem>>)
      %dma_wait3A_39 = arith.constant 0 : i32
      %dma_wait3A_40 = arith.constant 0 : i32
      %dma_wait3A_41 = tpu.memref_slice %arg3[%add3A, %dma_wait3A_39, %dma_wait3A_40] : memref<32x125x80xi32, #tpu.memory_space<hbm>> -> memref<1x125x80xi32, #tpu.memory_space<hbm>>
      %dma_wait3A_42 = tpu.memref_squeeze %dma_wait3A_41 : memref<1x125x80xi32, #tpu.memory_space<hbm>> -> memref<125x80xi32, #tpu.memory_space<hbm>>
      %dma_wait3A_43 = arith.constant 0 : i32
      %dma_wait3A_44 = arith.constant 0 : i32
      %dma_wait3A_45 = tpu.memref_slice %arg3[%add3A, %dma_wait3A_43, %dma_wait3A_44] : memref<32x125x80xi32, #tpu.memory_space<hbm>> -> memref<1x125x80xi32, #tpu.memory_space<hbm>>
      %dma_wait3A_46 = tpu.memref_squeeze %dma_wait3A_45 : memref<1x125x80xi32, #tpu.memory_space<hbm>> -> memref<125x80xi32, #tpu.memory_space<hbm>>
      tpu.wait_dma2 semaphore(%run_scoped3A_30 : memref<!tpu.dma_semaphore, #tpu.memory_space<semaphore_mem>>) src(%dma_wait3A_46 : memref<125x80xi32, #tpu.memory_space<hbm>>) dst(%arg8 : memref<125x80xi32, #tpu.memory_space<vmem>>)
      tpu.yield
    }) : () -> ()
    "tpu.region"() ({
      %run_scoped3A_30 = tpu.sem_alloc : memref<!tpu.dma_semaphore, #tpu.memory_space<semaphore_mem>>
      tpu.enqueue_dma source(%arg4 : memref<8x128xf32, #tpu.memory_space<hbm>>) target(%arg11 : memref<8x128xf32, #tpu.memory_space<vmem>>) target_semaphore(%run_scoped3A_30 : memref<!tpu.dma_semaphore, #tpu.memory_space<semaphore_mem>>)
      tpu.wait_dma2 semaphore(%run_scoped3A_30 : memref<!tpu.dma_semaphore, #tpu.memory_space<semaphore_mem>>) src(%arg4 : memref<8x128xf32, #tpu.memory_space<hbm>>) dst(%arg11 : memref<8x128xf32, #tpu.memory_space<vmem>>)
      tpu.yield
    }) : () -> ()
    %mul3A_3 = arith.constant 640 : i32
    %mul3A_4 = arith.muli %arg1, %mul3A_3 : i32
    %scan3A = arith.constant 0 : i32
    %scan3A_5 = arith.constant 0 : i32
    %scan3A_6 = arith.constant 80 : i32
    %scan3A_7 = arith.addi %scan3A_5, %scan3A_6 : i32
    %scan3A_8 = arith.constant 1 : i32
    scf.for %scan3A_30 = %scan3A_5 to %scan3A_7 step %scan3A_8  : i32 {
      %mul3A_31 = arith.constant 8 : i32
      %mul3A_32 = arith.muli %scan3A_30, %mul3A_31 : i32
      %add3A_33 = arith.addi %mul3A_4, %mul3A_32 : i32
      "tpu.region"() ({
        %run_scoped3A_34 = tpu.sem_alloc : memref<!tpu.dma_semaphore, #tpu.memory_space<semaphore_mem>>
        %dma_start3A_35 = arith.constant 0 : i32
        %dma_start3A_36 = tpu.memref_slice %arg12[%add3A_33, %dma_start3A_35] : memref<10240x128xf32, #tpu.memory_space<vmem_shared>> -> memref<8x128xf32, #tpu.memory_space<vmem_shared>>
        %dma_start3A_37 = arith.constant 0 : i32
        %dma_start3A_38 = tpu.memref_slice %arg12[%add3A_33, %dma_start3A_37] : memref<10240x128xf32, #tpu.memory_space<vmem_shared>> -> memref<8x128xf32, #tpu.memory_space<vmem_shared>>
        tpu.enqueue_dma source(%arg11 : memref<8x128xf32, #tpu.memory_space<vmem>>) target(%dma_start3A_38 : memref<8x128xf32, #tpu.memory_space<vmem_shared>>) target_semaphore(%run_scoped3A_34 : memref<!tpu.dma_semaphore, #tpu.memory_space<semaphore_mem>>)
        %dma_wait3A_39 = arith.constant 0 : i32
        %dma_wait3A_40 = tpu.memref_slice %arg12[%add3A_33, %dma_wait3A_39] : memref<10240x128xf32, #tpu.memory_space<vmem_shared>> -> memref<8x128xf32, #tpu.memory_space<vmem_shared>>
        %dma_wait3A_41 = arith.constant 0 : i32
        %dma_wait3A_42 = tpu.memref_slice %arg12[%add3A_33, %dma_wait3A_41] : memref<10240x128xf32, #tpu.memory_space<vmem_shared>> -> memref<8x128xf32, #tpu.memory_space<vmem_shared>>
        tpu.wait_dma2 semaphore(%run_scoped3A_34 : memref<!tpu.dma_semaphore, #tpu.memory_space<semaphore_mem>>) src(%arg11 : memref<8x128xf32, #tpu.memory_space<vmem>>) dst(%dma_wait3A_42 : memref<8x128xf32, #tpu.memory_space<vmem_shared>>)
        tpu.yield
      }) : () -> ()
    }
    %scan3A_9 = arith.constant 80 : i32
    %barrier3A = arith.constant 0 : index
    tpu.barrier barrier_id(%barrier3A)
    %dma_start3A = arith.constant 0 : i32
    %dma_start3A_10 = tpu.memref_slice %arg7[%dma_start3A] : memref<10000xi32, #tpu.memory_space<vmem>> -> memref<80xi32, #tpu.memory_space<vmem>>
    %dma_start3A_11 = arith.constant 0 : i32
    %dma_start3A_12 = arith.constant 0 : i32
    %dma_start3A_13 = tpu.memref_slice %arg5[%dma_start3A_11, %dma_start3A_12] : memref<10000x128xf32, #tpu.memory_space<hbm>> -> memref<10000x128xf32, #tpu.memory_space<hbm>>
    tpu.enqueue_indirect_dma source(%dma_start3A_13 : memref<10000x128xf32, #tpu.memory_space<hbm>>) target(%arg9 : memref<80x128xf32, #tpu.memory_space<vmem>>) offsets(%dma_start3A_10 : memref<80xi32, #tpu.memory_space<vmem>>) semaphore(%arg13 : memref<!tpu.dma_semaphore, #tpu.memory_space<semaphore_mem>>)
    %dma_start3A_14 = arith.constant 80 : i32
    %dma_start3A_15 = tpu.memref_slice %arg7[%dma_start3A_14] : memref<10000xi32, #tpu.memory_space<vmem>> -> memref<80xi32, #tpu.memory_space<vmem>>
    %dma_start3A_16 = arith.constant 0 : i32
    %dma_start3A_17 = arith.constant 0 : i32
    %dma_start3A_18 = tpu.memref_slice %arg5[%dma_start3A_16, %dma_start3A_17] : memref<10000x128xf32, #tpu.memory_space<hbm>> -> memref<10000x128xf32, #tpu.memory_space<hbm>>
    tpu.enqueue_indirect_dma source(%dma_start3A_18 : memref<10000x128xf32, #tpu.memory_space<hbm>>) target(%arg10 : memref<80x128xf32, #tpu.memory_space<vmem>>) offsets(%dma_start3A_15 : memref<80xi32, #tpu.memory_space<vmem>>) semaphore(%arg14 : memref<!tpu.dma_semaphore, #tpu.memory_space<semaphore_mem>>)
    %scan3A_19 = arith.constant 0 : i32
    %scan3A_20 = arith.constant 0 : i32
    %scan3A_21 = arith.constant 62 : i32
    %scan3A_22 = arith.addi %scan3A_20, %scan3A_21 : i32
    %scan3A_23 = arith.constant 1 : i32
    scf.for %scan3A_30 = %scan3A_20 to %scan3A_22 step %scan3A_23  : i32 {
      %mul3A_31 = arith.constant 2 : i32
      %mul3A_32 = arith.muli %mul3A_31, %scan3A_30 : i32
      %mul3A_33 = arith.constant 80 : i32
      %mul3A_34 = arith.muli %mul3A_32, %mul3A_33 : i32
      %dma_wait3A_35 = tpu.memref_slice %arg7[%mul3A_34] : memref<10000xi32, #tpu.memory_space<vmem>> -> memref<80xi32, #tpu.memory_space<vmem>>
      %dma_wait3A_36 = arith.constant 0 : i32
      %dma_wait3A_37 = arith.constant 0 : i32
      %dma_wait3A_38 = tpu.memref_slice %arg5[%dma_wait3A_36, %dma_wait3A_37] : memref<10000x128xf32, #tpu.memory_space<hbm>> -> memref<10000x128xf32, #tpu.memory_space<hbm>>
      tpu.wait_indirect_dma semaphore(%arg13 : memref<!tpu.dma_semaphore, #tpu.memory_space<semaphore_mem>>) src(%dma_wait3A_38 : memref<10000x128xf32, #tpu.memory_space<hbm>>) dst(%arg9 : memref<80x128xf32, #tpu.memory_space<vmem>>)
      "tpu.region"() ({
        %run_scoped3A_60 = tpu.sem_alloc : memref<!tpu.dma_semaphore, #tpu.memory_space<semaphore_mem>>
        %dma_start3A_61 = arith.constant 0 : i32
        %dma_start3A_62 = tpu.memref_slice %arg8[%mul3A_32, %dma_start3A_61] : memref<125x80xi32, #tpu.memory_space<vmem>> -> memref<1x80xi32, #tpu.memory_space<vmem>>
        %dma_start3A_63 = tpu.memref_squeeze %dma_start3A_62 : memref<1x80xi32, #tpu.memory_space<vmem>> -> memref<80xi32, #tpu.memory_space<vmem>>
        %dma_start3A_64 = arith.constant 0 : i32
        %dma_start3A_65 = arith.constant 0 : i32
        %dma_start3A_66 = tpu.memref_slice %arg12[%dma_start3A_64, %dma_start3A_65] : memref<10240x128xf32, #tpu.memory_space<vmem_shared>> -> memref<10240x128xf32, #tpu.memory_space<vmem_shared>>
        tpu.enqueue_indirect_dma source(%arg9 : memref<80x128xf32, #tpu.memory_space<vmem>>) target(%dma_start3A_66 : memref<10240x128xf32, #tpu.memory_space<vmem_shared>>) offsets(%dma_start3A_63 : memref<80xi32, #tpu.memory_space<vmem>>) semaphore(%run_scoped3A_60 : memref<!tpu.dma_semaphore, #tpu.memory_space<semaphore_mem>>) {add = true}
        %dma_wait3A_67 = arith.constant 0 : i32
        %dma_wait3A_68 = tpu.memref_slice %arg8[%mul3A_32, %dma_wait3A_67] : memref<125x80xi32, #tpu.memory_space<vmem>> -> memref<1x80xi32, #tpu.memory_space<vmem>>
        %dma_wait3A_69 = tpu.memref_squeeze %dma_wait3A_68 : memref<1x80xi32, #tpu.memory_space<vmem>> -> memref<80xi32, #tpu.memory_space<vmem>>
        %dma_wait3A_70 = arith.constant 0 : i32
        %dma_wait3A_71 = arith.constant 0 : i32
        %dma_wait3A_72 = tpu.memref_slice %arg12[%dma_wait3A_70, %dma_wait3A_71] : memref<10240x128xf32, #tpu.memory_space<vmem_shared>> -> memref<10240x128xf32, #tpu.memory_space<vmem_shared>>
        tpu.wait_indirect_dma semaphore(%run_scoped3A_60 : memref<!tpu.dma_semaphore, #tpu.memory_space<semaphore_mem>>) src(%arg9 : memref<80x128xf32, #tpu.memory_space<vmem>>) dst(%dma_wait3A_72 : memref<10240x128xf32, #tpu.memory_space<vmem_shared>>)
        tpu.yield
      }) : () -> ()
      %add3A_39 = arith.constant 2 : i32
      %add3A_40 = arith.addi %mul3A_32, %add3A_39 : i32
      %lt3A = arith.constant 125 : i32
      %lt3A_41 = arith.cmpi slt, %add3A_40, %lt3A : i32
      %convert_element_type3A = arith.extui %lt3A_41 : i1 to i32
      %cond3A = arith.constant 0 : i32
      %cond3A_42 = arith.cmpi ne, %convert_element_type3A, %cond3A : i32
      scf.if %cond3A_42 {
        %add3A_60 = arith.constant 2 : i32
        %add3A_61 = arith.addi %mul3A_32, %add3A_60 : i32
        %mul3A_62 = arith.constant 80 : i32
        %mul3A_63 = arith.muli %add3A_61, %mul3A_62 : i32
        %dma_start3A_64 = tpu.memref_slice %arg7[%mul3A_63] : memref<10000xi32, #tpu.memory_space<vmem>> -> memref<80xi32, #tpu.memory_space<vmem>>
        %dma_start3A_65 = arith.constant 0 : i32
        %dma_start3A_66 = arith.constant 0 : i32
        %dma_start3A_67 = tpu.memref_slice %arg5[%dma_start3A_65, %dma_start3A_66] : memref<10000x128xf32, #tpu.memory_space<hbm>> -> memref<10000x128xf32, #tpu.memory_space<hbm>>
        tpu.enqueue_indirect_dma source(%dma_start3A_67 : memref<10000x128xf32, #tpu.memory_space<hbm>>) target(%arg9 : memref<80x128xf32, #tpu.memory_space<vmem>>) offsets(%dma_start3A_64 : memref<80xi32, #tpu.memory_space<vmem>>) semaphore(%arg13 : memref<!tpu.dma_semaphore, #tpu.memory_space<semaphore_mem>>)
      } else {
      }
      %add3A_43 = arith.constant 1 : i32
      %add3A_44 = arith.addi %mul3A_32, %add3A_43 : i32
      %mul3A_45 = arith.constant 80 : i32
      %mul3A_46 = arith.muli %add3A_44, %mul3A_45 : i32
      %dma_wait3A_47 = tpu.memref_slice %arg7[%mul3A_46] : memref<10000xi32, #tpu.memory_space<vmem>> -> memref<80xi32, #tpu.memory_space<vmem>>
      %dma_wait3A_48 = arith.constant 0 : i32
      %dma_wait3A_49 = arith.constant 0 : i32
      %dma_wait3A_50 = tpu.memref_slice %arg5[%dma_wait3A_48, %dma_wait3A_49] : memref<10000x128xf32, #tpu.memory_space<hbm>> -> memref<10000x128xf32, #tpu.memory_space<hbm>>
      tpu.wait_indirect_dma semaphore(%arg14 : memref<!tpu.dma_semaphore, #tpu.memory_space<semaphore_mem>>) src(%dma_wait3A_50 : memref<10000x128xf32, #tpu.memory_space<hbm>>) dst(%arg10 : memref<80x128xf32, #tpu.memory_space<vmem>>)
      %add3A_51 = arith.constant 1 : i32
      %add3A_52 = arith.addi %mul3A_32, %add3A_51 : i32
      "tpu.region"() ({
        %run_scoped3A_60 = tpu.sem_alloc : memref<!tpu.dma_semaphore, #tpu.memory_space<semaphore_mem>>
        %dma_start3A_61 = arith.constant 0 : i32
        %dma_start3A_62 = tpu.memref_slice %arg8[%add3A_52, %dma_start3A_61] : memref<125x80xi32, #tpu.memory_space<vmem>> -> memref<1x80xi32, #tpu.memory_space<vmem>>
        %dma_start3A_63 = tpu.memref_squeeze %dma_start3A_62 : memref<1x80xi32, #tpu.memory_space<vmem>> -> memref<80xi32, #tpu.memory_space<vmem>>
        %dma_start3A_64 = arith.constant 0 : i32
        %dma_start3A_65 = arith.constant 0 : i32
        %dma_start3A_66 = tpu.memref_slice %arg12[%dma_start3A_64, %dma_start3A_65] : memref<10240x128xf32, #tpu.memory_space<vmem_shared>> -> memref<10240x128xf32, #tpu.memory_space<vmem_shared>>
        tpu.enqueue_indirect_dma source(%arg10 : memref<80x128xf32, #tpu.memory_space<vmem>>) target(%dma_start3A_66 : memref<10240x128xf32, #tpu.memory_space<vmem_shared>>) offsets(%dma_start3A_63 : memref<80xi32, #tpu.memory_space<vmem>>) semaphore(%run_scoped3A_60 : memref<!tpu.dma_semaphore, #tpu.memory_space<semaphore_mem>>) {add = true}
        %dma_wait3A_67 = arith.constant 0 : i32
        %dma_wait3A_68 = tpu.memref_slice %arg8[%add3A_52, %dma_wait3A_67] : memref<125x80xi32, #tpu.memory_space<vmem>> -> memref<1x80xi32, #tpu.memory_space<vmem>>
        %dma_wait3A_69 = tpu.memref_squeeze %dma_wait3A_68 : memref<1x80xi32, #tpu.memory_space<vmem>> -> memref<80xi32, #tpu.memory_space<vmem>>
        %dma_wait3A_70 = arith.constant 0 : i32
        %dma_wait3A_71 = arith.constant 0 : i32
        %dma_wait3A_72 = tpu.memref_slice %arg12[%dma_wait3A_70, %dma_wait3A_71] : memref<10240x128xf32, #tpu.memory_space<vmem_shared>> -> memref<10240x128xf32, #tpu.memory_space<vmem_shared>>
        tpu.wait_indirect_dma semaphore(%run_scoped3A_60 : memref<!tpu.dma_semaphore, #tpu.memory_space<semaphore_mem>>) src(%arg10 : memref<80x128xf32, #tpu.memory_space<vmem>>) dst(%dma_wait3A_72 : memref<10240x128xf32, #tpu.memory_space<vmem_shared>>)
        tpu.yield
      }) : () -> ()
      %add3A_53 = arith.constant 3 : i32
      %add3A_54 = arith.addi %mul3A_32, %add3A_53 : i32
      %lt3A_55 = arith.constant 125 : i32
      %lt3A_56 = arith.cmpi slt, %add3A_54, %lt3A_55 : i32
      %convert_element_type3A_57 = arith.extui %lt3A_56 : i1 to i32
      %cond3A_58 = arith.constant 0 : i32
      %cond3A_59 = arith.cmpi ne, %convert_element_type3A_57, %cond3A_58 : i32
      scf.if %cond3A_59 {
        %add3A_60 = arith.constant 3 : i32
        %add3A_61 = arith.addi %mul3A_32, %add3A_60 : i32
        %mul3A_62 = arith.constant 80 : i32
        %mul3A_63 = arith.muli %add3A_61, %mul3A_62 : i32
        %dma_start3A_64 = tpu.memref_slice %arg7[%mul3A_63] : memref<10000xi32, #tpu.memory_space<vmem>> -> memref<80xi32, #tpu.memory_space<vmem>>
        %dma_start3A_65 = arith.constant 0 : i32
        %dma_start3A_66 = arith.constant 0 : i32
        %dma_start3A_67 = tpu.memref_slice %arg5[%dma_start3A_65, %dma_start3A_66] : memref<10000x128xf32, #tpu.memory_space<hbm>> -> memref<10000x128xf32, #tpu.memory_space<hbm>>
        tpu.enqueue_indirect_dma source(%dma_start3A_67 : memref<10000x128xf32, #tpu.memory_space<hbm>>) target(%arg10 : memref<80x128xf32, #tpu.memory_space<vmem>>) offsets(%dma_start3A_64 : memref<80xi32, #tpu.memory_space<vmem>>) semaphore(%arg14 : memref<!tpu.dma_semaphore, #tpu.memory_space<semaphore_mem>>)
      } else {
      }
    }
    %scan3A_24 = arith.constant 62 : i32
    %dma_wait3A = arith.constant 9920 : i32
    %dma_wait3A_25 = tpu.memref_slice %arg7[%dma_wait3A] : memref<10000xi32, #tpu.memory_space<vmem>> -> memref<80xi32, #tpu.memory_space<vmem>>
    %dma_wait3A_26 = arith.constant 0 : i32
    %dma_wait3A_27 = arith.constant 0 : i32
    %dma_wait3A_28 = tpu.memref_slice %arg5[%dma_wait3A_26, %dma_wait3A_27] : memref<10000x128xf32, #tpu.memory_space<hbm>> -> memref<10000x128xf32, #tpu.memory_space<hbm>>
    tpu.wait_indirect_dma semaphore(%arg13 : memref<!tpu.dma_semaphore, #tpu.memory_space<semaphore_mem>>) src(%dma_wait3A_28 : memref<10000x128xf32, #tpu.memory_space<hbm>>) dst(%arg9 : memref<80x128xf32, #tpu.memory_space<vmem>>)
    %run_scoped3A = arith.constant 124 : i32
    "tpu.region"() ({
      %run_scoped3A_30 = tpu.sem_alloc : memref<!tpu.dma_semaphore, #tpu.memory_space<semaphore_mem>>
      %dma_start3A_31 = arith.constant 0 : i32
      %dma_start3A_32 = tpu.memref_slice %arg8[%run_scoped3A, %dma_start3A_31] : memref<125x80xi32, #tpu.memory_space<vmem>> -> memref<1x80xi32, #tpu.memory_space<vmem>>
      %dma_start3A_33 = tpu.memref_squeeze %dma_start3A_32 : memref<1x80xi32, #tpu.memory_space<vmem>> -> memref<80xi32, #tpu.memory_space<vmem>>
      %dma_start3A_34 = arith.constant 0 : i32
      %dma_start3A_35 = arith.constant 0 : i32
      %dma_start3A_36 = tpu.memref_slice %arg12[%dma_start3A_34, %dma_start3A_35] : memref<10240x128xf32, #tpu.memory_space<vmem_shared>> -> memref<10240x128xf32, #tpu.memory_space<vmem_shared>>
      tpu.enqueue_indirect_dma source(%arg9 : memref<80x128xf32, #tpu.memory_space<vmem>>) target(%dma_start3A_36 : memref<10240x128xf32, #tpu.memory_space<vmem_shared>>) offsets(%dma_start3A_33 : memref<80xi32, #tpu.memory_space<vmem>>) semaphore(%run_scoped3A_30 : memref<!tpu.dma_semaphore, #tpu.memory_space<semaphore_mem>>) {add = true}
      %dma_wait3A_37 = arith.constant 0 : i32
      %dma_wait3A_38 = tpu.memref_slice %arg8[%run_scoped3A, %dma_wait3A_37] : memref<125x80xi32, #tpu.memory_space<vmem>> -> memref<1x80xi32, #tpu.memory_space<vmem>>
      %dma_wait3A_39 = tpu.memref_squeeze %dma_wait3A_38 : memref<1x80xi32, #tpu.memory_space<vmem>> -> memref<80xi32, #tpu.memory_space<vmem>>
      %dma_wait3A_40 = arith.constant 0 : i32
      %dma_wait3A_41 = arith.constant 0 : i32
      %dma_wait3A_42 = tpu.memref_slice %arg12[%dma_wait3A_40, %dma_wait3A_41] : memref<10240x128xf32, #tpu.memory_space<vmem_shared>> -> memref<10240x128xf32, #tpu.memory_space<vmem_shared>>
      tpu.wait_indirect_dma semaphore(%run_scoped3A_30 : memref<!tpu.dma_semaphore, #tpu.memory_space<semaphore_mem>>) src(%arg9 : memref<80x128xf32, #tpu.memory_space<vmem>>) dst(%dma_wait3A_42 : memref<10240x128xf32, #tpu.memory_space<vmem_shared>>)
      tpu.yield
    }) : () -> ()
    %barrier3A_29 = arith.constant 0 : index
    tpu.barrier barrier_id(%barrier3A_29)
    "tpu.region"() ({
      %run_scoped3A_30 = tpu.sem_alloc : memref<!tpu.dma_semaphore, #tpu.memory_space<semaphore_mem>>
      %dma_start3A_31 = arith.constant 0 : i32
      %dma_start3A_32 = tpu.memref_slice %arg6[%arg0, %mul3A_4, %dma_start3A_31] : memref<2x10240x128xf32, #tpu.memory_space<hbm>> -> memref<1x640x128xf32, #tpu.memory_space<hbm>>
      %dma_start3A_33 = tpu.memref_squeeze %dma_start3A_32 : memref<1x640x128xf32, #tpu.memory_space<hbm>> -> memref<640x128xf32, #tpu.memory_space<hbm>>
      %dma_start3A_34 = arith.constant 0 : i32
      %dma_start3A_35 = tpu.memref_slice %arg12[%mul3A_4, %dma_start3A_34] : memref<10240x128xf32, #tpu.memory_space<vmem_shared>> -> memref<640x128xf32, #tpu.memory_space<vmem_shared>>
      tpu.enqueue_dma source(%dma_start3A_35 : memref<640x128xf32, #tpu.memory_space<vmem_shared>>) target(%dma_start3A_33 : memref<640x128xf32, #tpu.memory_space<hbm>>) target_semaphore(%run_scoped3A_30 : memref<!tpu.dma_semaphore, #tpu.memory_space<semaphore_mem>>)
      %dma_wait3A_36 = arith.constant 0 : i32
      %dma_wait3A_37 = tpu.memref_slice %arg6[%arg0, %mul3A_4, %dma_wait3A_36] : memref<2x10240x128xf32, #tpu.memory_space<hbm>> -> memref<1x640x128xf32, #tpu.memory_space<hbm>>
      %dma_wait3A_38 = tpu.memref_squeeze %dma_wait3A_37 : memref<1x640x128xf32, #tpu.memory_space<hbm>> -> memref<640x128xf32, #tpu.memory_space<hbm>>
      %dma_wait3A_39 = arith.constant 0 : i32
      %dma_wait3A_40 = tpu.memref_slice %arg12[%mul3A_4, %dma_wait3A_39] : memref<10240x128xf32, #tpu.memory_space<vmem_shared>> -> memref<640x128xf32, #tpu.memory_space<vmem_shared>>
      tpu.wait_dma2 semaphore(%run_scoped3A_30 : memref<!tpu.dma_semaphore, #tpu.memory_space<semaphore_mem>>) src(%dma_wait3A_40 : memref<640x128xf32, #tpu.memory_space<vmem_shared>>) dst(%dma_wait3A_38 : memref<640x128xf32, #tpu.memory_space<hbm>>)
      tpu.yield
    }) : () -> ()
    return
  }
}

#map = affine_map<(d0, d1) -> (0)>
#map1 = affine_map<(d0, d1) -> (0, 0, 0)>
#map2 = affine_map<(d0, d1) -> (0, 0)>
module attributes {stable_mosaic.version = 14 : i64} {
  func.func @_segsum(%arg0: i32, %arg1: i32, %arg2: memref<320000xi32, #tpu.memory_space<hbm>>, %arg3: memref<32x125x80xi32, #tpu.memory_space<hbm>>, %arg4: memref<8x128xf32, #tpu.memory_space<hbm>>, %arg5: memref<10000x128xf32, #tpu.memory_space<hbm>>, %arg6: memref<2x10240x128xf32, #tpu.memory_space<hbm>>, %arg7: memref<10000xi32, #tpu.memory_space<vmem>>, %arg8: memref<125x80xi32, #tpu.memory_space<vmem>>, %arg9: memref<80x128xf32, #tpu.memory_space<vmem>>, %arg10: memref<80x128xf32, #tpu.memory_space<vmem>>, %arg11: memref<8x128xf32, #tpu.memory_space<vmem>>, %arg12: memref<10240x128xf32, #tpu.memory_space<vmem_shared>>, %arg13: memref<!tpu.dma_semaphore, #tpu.memory_space<semaphore_mem>>, %arg14: memref<!tpu.dma_semaphore, #tpu.memory_space<semaphore_mem>>) attributes {dimension_semantics = [#tpu.dimension_semantics<core_parallel>, #tpu.dimension_semantics<subcore_parallel>], iteration_bounds = array<i64: 2, 16>, scalar_prefetch = 0 : i64, scratch_operands = 8 : i64, tpu.core_type = #tpu.core_type<sc_vector_subcore>, window_params = [{transform_indices = #map}, {transform_indices = #map1}, {transform_indices = #map2}, {transform_indices = #map2}, {transform_indices = #map1}]} {
    %mul3A = arith.constant 2 : i32
    %mul3A_0 = arith.muli %arg1, %mul3A : i32
    %add3A = arith.addi %mul3A_0, %arg0 : i32
    %mul3A_1 = arith.constant 10000 : i32
    %mul3A_2 = arith.muli %add3A, %mul3A_1 : i32
    "tpu.region"() ({
      %run_scoped3A_30 = tpu.sem_alloc : memref<!tpu.dma_semaphore, #tpu.memory_space<semaphore_mem>>
      %dma_start3A_31 = tpu.memref_slice %arg2[%mul3A_2] : memref<320000xi32, #tpu.memory_space<hbm>> -> memref<10000xi32, #tpu.memory_space<hbm>>
      %dma_start3A_32 = tpu.memref_slice %arg2[%mul3A_2] : memref<320000xi32, #tpu.memory_space<hbm>> -> memref<10000xi32, #tpu.memory_space<hbm>>
      tpu.enqueue_dma source(%dma_start3A_32 : memref<10000xi32, #tpu.memory_space<hbm>>) target(%arg7 : memref<10000xi32, #tpu.memory_space<vmem>>) target_semaphore(%run_scoped3A_30 : memref<!tpu.dma_semaphore, #tpu.memory_space<semaphore_mem>>)
      %dma_wait3A_33 = tpu.memref_slice %arg2[%mul3A_2] : memref<320000xi32, #tpu.memory_space<hbm>> -> memref<10000xi32, #tpu.memory_space<hbm>>
      %dma_wait3A_34 = tpu.memref_slice %arg2[%mul3A_2] : memref<320000xi32, #tpu.memory_space<hbm>> -> memref<10000xi32, #tpu.memory_space<hbm>>
      tpu.wait_dma2 semaphore(%run_scoped3A_30 : memref<!tpu.dma_semaphore, #tpu.memory_space<semaphore_mem>>) src(%dma_wait3A_34 : memref<10000xi32, #tpu.memory_space<hbm>>) dst(%arg7 : memref<10000xi32, #tpu.memory_space<vmem>>)
      tpu.yield
    }) : () -> ()
    "tpu.region"() ({
      %run_scoped3A_30 = tpu.sem_alloc : memref<!tpu.dma_semaphore, #tpu.memory_space<semaphore_mem>>
      %dma_start3A_31 = arith.constant 0 : i32
      %dma_start3A_32 = arith.constant 0 : i32
      %dma_start3A_33 = tpu.memref_slice %arg3[%add3A, %dma_start3A_31, %dma_start3A_32] : memref<32x125x80xi32, #tpu.memory_space<hbm>> -> memref<1x125x80xi32, #tpu.memory_space<hbm>>
      %dma_start3A_34 = tpu.memref_squeeze %dma_start3A_33 : memref<1x125x80xi32, #tpu.memory_space<hbm>> -> memref<125x80xi32, #tpu.memory_space<hbm>>
      %dma_start3A_35 = arith.constant 0 : i32
      %dma_start3A_36 = arith.constant 0 : i32
      %dma_start3A_37 = tpu.memref_slice %arg3[%add3A, %dma_start3A_35, %dma_start3A_36] : memref<32x125x80xi32, #tpu.memory_space<hbm>> -> memref<1x125x80xi32, #tpu.memory_space<hbm>>
      %dma_start3A_38 = tpu.memref_squeeze %dma_start3A_37 : memref<1x125x80xi32, #tpu.memory_space<hbm>> -> memref<125x80xi32, #tpu.memory_space<hbm>>
      tpu.enqueue_dma source(%dma_start3A_38 : memref<125x80xi32, #tpu.memory_space<hbm>>) target(%arg8 : memref<125x80xi32, #tpu.memory_space<vmem>>) target_semaphore(%run_scoped3A_30 : memref<!tpu.dma_semaphore, #tpu.memory_space<semaphore_mem>>)
      %dma_wait3A_39 = arith.constant 0 : i32
      %dma_wait3A_40 = arith.constant 0 : i32
      %dma_wait3A_41 = tpu.memref_slice %arg3[%add3A, %dma_wait3A_39, %dma_wait3A_40] : memref<32x125x80xi32, #tpu.memory_space<hbm>> -> memref<1x125x80xi32, #tpu.memory_space<hbm>>
      %dma_wait3A_42 = tpu.memref_squeeze %dma_wait3A_41 : memref<1x125x80xi32, #tpu.memory_space<hbm>> -> memref<125x80xi32, #tpu.memory_space<hbm>>
      %dma_wait3A_43 = arith.constant 0 : i32
      %dma_wait3A_44 = arith.constant 0 : i32
      %dma_wait3A_45 = tpu.memref_slice %arg3[%add3A, %dma_wait3A_43, %dma_wait3A_44] : memref<32x125x80xi32, #tpu.memory_space<hbm>> -> memref<1x125x80xi32, #tpu.memory_space<hbm>>
      %dma_wait3A_46 = tpu.memref_squeeze %dma_wait3A_45 : memref<1x125x80xi32, #tpu.memory_space<hbm>> -> memref<125x80xi32, #tpu.memory_space<hbm>>
      tpu.wait_dma2 semaphore(%run_scoped3A_30 : memref<!tpu.dma_semaphore, #tpu.memory_space<semaphore_mem>>) src(%dma_wait3A_46 : memref<125x80xi32, #tpu.memory_space<hbm>>) dst(%arg8 : memref<125x80xi32, #tpu.memory_space<vmem>>)
      tpu.yield
    }) : () -> ()
    "tpu.region"() ({
      %run_scoped3A_30 = tpu.sem_alloc : memref<!tpu.dma_semaphore, #tpu.memory_space<semaphore_mem>>
      tpu.enqueue_dma source(%arg4 : memref<8x128xf32, #tpu.memory_space<hbm>>) target(%arg11 : memref<8x128xf32, #tpu.memory_space<vmem>>) target_semaphore(%run_scoped3A_30 : memref<!tpu.dma_semaphore, #tpu.memory_space<semaphore_mem>>)
      tpu.wait_dma2 semaphore(%run_scoped3A_30 : memref<!tpu.dma_semaphore, #tpu.memory_space<semaphore_mem>>) src(%arg4 : memref<8x128xf32, #tpu.memory_space<hbm>>) dst(%arg11 : memref<8x128xf32, #tpu.memory_space<vmem>>)
      tpu.yield
    }) : () -> ()
    %mul3A_3 = arith.constant 640 : i32
    %mul3A_4 = arith.muli %arg1, %mul3A_3 : i32
    %scan3A = arith.constant 0 : i32
    %scan3A_5 = arith.constant 0 : i32
    %scan3A_6 = arith.constant 80 : i32
    %scan3A_7 = arith.addi %scan3A_5, %scan3A_6 : i32
    %scan3A_8 = arith.constant 1 : i32
    scf.for %scan3A_30 = %scan3A_5 to %scan3A_7 step %scan3A_8  : i32 {
      %mul3A_31 = arith.constant 8 : i32
      %mul3A_32 = arith.muli %scan3A_30, %mul3A_31 : i32
      %add3A_33 = arith.addi %mul3A_4, %mul3A_32 : i32
      "tpu.region"() ({
        %run_scoped3A_34 = tpu.sem_alloc : memref<!tpu.dma_semaphore, #tpu.memory_space<semaphore_mem>>
        %dma_start3A_35 = arith.constant 0 : i32
        %dma_start3A_36 = tpu.memref_slice %arg12[%add3A_33, %dma_start3A_35] : memref<10240x128xf32, #tpu.memory_space<vmem_shared>> -> memref<8x128xf32, #tpu.memory_space<vmem_shared>>
        %dma_start3A_37 = arith.constant 0 : i32
        %dma_start3A_38 = tpu.memref_slice %arg12[%add3A_33, %dma_start3A_37] : memref<10240x128xf32, #tpu.memory_space<vmem_shared>> -> memref<8x128xf32, #tpu.memory_space<vmem_shared>>
        tpu.enqueue_dma source(%arg11 : memref<8x128xf32, #tpu.memory_space<vmem>>) target(%dma_start3A_38 : memref<8x128xf32, #tpu.memory_space<vmem_shared>>) target_semaphore(%run_scoped3A_34 : memref<!tpu.dma_semaphore, #tpu.memory_space<semaphore_mem>>)
        %dma_wait3A_39 = arith.constant 0 : i32
        %dma_wait3A_40 = tpu.memref_slice %arg12[%add3A_33, %dma_wait3A_39] : memref<10240x128xf32, #tpu.memory_space<vmem_shared>> -> memref<8x128xf32, #tpu.memory_space<vmem_shared>>
        %dma_wait3A_41 = arith.constant 0 : i32
        %dma_wait3A_42 = tpu.memref_slice %arg12[%add3A_33, %dma_wait3A_41] : memref<10240x128xf32, #tpu.memory_space<vmem_shared>> -> memref<8x128xf32, #tpu.memory_space<vmem_shared>>
        tpu.wait_dma2 semaphore(%run_scoped3A_34 : memref<!tpu.dma_semaphore, #tpu.memory_space<semaphore_mem>>) src(%arg11 : memref<8x128xf32, #tpu.memory_space<vmem>>) dst(%dma_wait3A_42 : memref<8x128xf32, #tpu.memory_space<vmem_shared>>)
        tpu.yield
      }) : () -> ()
    }
    %scan3A_9 = arith.constant 80 : i32
    %barrier3A = arith.constant 0 : index
    tpu.barrier barrier_id(%barrier3A)
    %dma_start3A = arith.constant 0 : i32
    %dma_start3A_10 = tpu.memref_slice %arg7[%dma_start3A] : memref<10000xi32, #tpu.memory_space<vmem>> -> memref<80xi32, #tpu.memory_space<vmem>>
    %dma_start3A_11 = arith.constant 0 : i32
    %dma_start3A_12 = arith.constant 0 : i32
    %dma_start3A_13 = tpu.memref_slice %arg5[%dma_start3A_11, %dma_start3A_12] : memref<10000x128xf32, #tpu.memory_space<hbm>> -> memref<10000x128xf32, #tpu.memory_space<hbm>>
    tpu.enqueue_indirect_dma source(%dma_start3A_13 : memref<10000x128xf32, #tpu.memory_space<hbm>>) target(%arg9 : memref<80x128xf32, #tpu.memory_space<vmem>>) offsets(%dma_start3A_10 : memref<80xi32, #tpu.memory_space<vmem>>) semaphore(%arg13 : memref<!tpu.dma_semaphore, #tpu.memory_space<semaphore_mem>>)
    %dma_start3A_14 = arith.constant 80 : i32
    %dma_start3A_15 = tpu.memref_slice %arg7[%dma_start3A_14] : memref<10000xi32, #tpu.memory_space<vmem>> -> memref<80xi32, #tpu.memory_space<vmem>>
    %dma_start3A_16 = arith.constant 0 : i32
    %dma_start3A_17 = arith.constant 0 : i32
    %dma_start3A_18 = tpu.memref_slice %arg5[%dma_start3A_16, %dma_start3A_17] : memref<10000x128xf32, #tpu.memory_space<hbm>> -> memref<10000x128xf32, #tpu.memory_space<hbm>>
    tpu.enqueue_indirect_dma source(%dma_start3A_18 : memref<10000x128xf32, #tpu.memory_space<hbm>>) target(%arg10 : memref<80x128xf32, #tpu.memory_space<vmem>>) offsets(%dma_start3A_15 : memref<80xi32, #tpu.memory_space<vmem>>) semaphore(%arg14 : memref<!tpu.dma_semaphore, #tpu.memory_space<semaphore_mem>>)
    %scan3A_19 = arith.constant 0 : i32
    %scan3A_20 = arith.constant 0 : i32
    %scan3A_21 = arith.constant 62 : i32
    %scan3A_22 = arith.addi %scan3A_20, %scan3A_21 : i32
    %scan3A_23 = arith.constant 1 : i32
    scf.for %scan3A_30 = %scan3A_20 to %scan3A_22 step %scan3A_23  : i32 {
      %mul3A_31 = arith.constant 2 : i32
      %mul3A_32 = arith.muli %mul3A_31, %scan3A_30 : i32
      %mul3A_33 = arith.constant 80 : i32
      %mul3A_34 = arith.muli %mul3A_32, %mul3A_33 : i32
      %dma_wait3A_35 = tpu.memref_slice %arg7[%mul3A_34] : memref<10000xi32, #tpu.memory_space<vmem>> -> memref<80xi32, #tpu.memory_space<vmem>>
      %dma_wait3A_36 = arith.constant 0 : i32
      %dma_wait3A_37 = arith.constant 0 : i32
      %dma_wait3A_38 = tpu.memref_slice %arg5[%dma_wait3A_36, %dma_wait3A_37] : memref<10000x128xf32, #tpu.memory_space<hbm>> -> memref<10000x128xf32, #tpu.memory_space<hbm>>
      tpu.wait_indirect_dma semaphore(%arg13 : memref<!tpu.dma_semaphore, #tpu.memory_space<semaphore_mem>>) src(%dma_wait3A_38 : memref<10000x128xf32, #tpu.memory_space<hbm>>) dst(%arg9 : memref<80x128xf32, #tpu.memory_space<vmem>>)
      "tpu.region"() ({
        %run_scoped3A_60 = tpu.sem_alloc : memref<!tpu.dma_semaphore, #tpu.memory_space<semaphore_mem>>
        %dma_start3A_61 = arith.constant 0 : i32
        %dma_start3A_62 = tpu.memref_slice %arg8[%mul3A_32, %dma_start3A_61] : memref<125x80xi32, #tpu.memory_space<vmem>> -> memref<1x80xi32, #tpu.memory_space<vmem>>
        %dma_start3A_63 = tpu.memref_squeeze %dma_start3A_62 : memref<1x80xi32, #tpu.memory_space<vmem>> -> memref<80xi32, #tpu.memory_space<vmem>>
        %dma_start3A_64 = arith.constant 0 : i32
        %dma_start3A_65 = arith.constant 0 : i32
        %dma_start3A_66 = tpu.memref_slice %arg12[%dma_start3A_64, %dma_start3A_65] : memref<10240x128xf32, #tpu.memory_space<vmem_shared>> -> memref<10240x128xf32, #tpu.memory_space<vmem_shared>>
        tpu.enqueue_indirect_dma source(%arg9 : memref<80x128xf32, #tpu.memory_space<vmem>>) target(%dma_start3A_66 : memref<10240x128xf32, #tpu.memory_space<vmem_shared>>) offsets(%dma_start3A_63 : memref<80xi32, #tpu.memory_space<vmem>>) semaphore(%run_scoped3A_60 : memref<!tpu.dma_semaphore, #tpu.memory_space<semaphore_mem>>) {add = true}
        %dma_wait3A_67 = arith.constant 0 : i32
        %dma_wait3A_68 = tpu.memref_slice %arg8[%mul3A_32, %dma_wait3A_67] : memref<125x80xi32, #tpu.memory_space<vmem>> -> memref<1x80xi32, #tpu.memory_space<vmem>>
        %dma_wait3A_69 = tpu.memref_squeeze %dma_wait3A_68 : memref<1x80xi32, #tpu.memory_space<vmem>> -> memref<80xi32, #tpu.memory_space<vmem>>
        %dma_wait3A_70 = arith.constant 0 : i32
        %dma_wait3A_71 = arith.constant 0 : i32
        %dma_wait3A_72 = tpu.memref_slice %arg12[%dma_wait3A_70, %dma_wait3A_71] : memref<10240x128xf32, #tpu.memory_space<vmem_shared>> -> memref<10240x128xf32, #tpu.memory_space<vmem_shared>>
        tpu.wait_indirect_dma semaphore(%run_scoped3A_60 : memref<!tpu.dma_semaphore, #tpu.memory_space<semaphore_mem>>) src(%arg9 : memref<80x128xf32, #tpu.memory_space<vmem>>) dst(%dma_wait3A_72 : memref<10240x128xf32, #tpu.memory_space<vmem_shared>>)
        tpu.yield
      }) : () -> ()
      %add3A_39 = arith.constant 2 : i32
      %add3A_40 = arith.addi %mul3A_32, %add3A_39 : i32
      %lt3A = arith.constant 125 : i32
      %lt3A_41 = arith.cmpi slt, %add3A_40, %lt3A : i32
      %convert_element_type3A = arith.extui %lt3A_41 : i1 to i32
      %cond3A = arith.constant 0 : i32
      %cond3A_42 = arith.cmpi ne, %convert_element_type3A, %cond3A : i32
      scf.if %cond3A_42 {
        %add3A_60 = arith.constant 2 : i32
        %add3A_61 = arith.addi %mul3A_32, %add3A_60 : i32
        %mul3A_62 = arith.constant 80 : i32
        %mul3A_63 = arith.muli %add3A_61, %mul3A_62 : i32
        %dma_start3A_64 = tpu.memref_slice %arg7[%mul3A_63] : memref<10000xi32, #tpu.memory_space<vmem>> -> memref<80xi32, #tpu.memory_space<vmem>>
        %dma_start3A_65 = arith.constant 0 : i32
        %dma_start3A_66 = arith.constant 0 : i32
        %dma_start3A_67 = tpu.memref_slice %arg5[%dma_start3A_65, %dma_start3A_66] : memref<10000x128xf32, #tpu.memory_space<hbm>> -> memref<10000x128xf32, #tpu.memory_space<hbm>>
        tpu.enqueue_indirect_dma source(%dma_start3A_67 : memref<10000x128xf32, #tpu.memory_space<hbm>>) target(%arg9 : memref<80x128xf32, #tpu.memory_space<vmem>>) offsets(%dma_start3A_64 : memref<80xi32, #tpu.memory_space<vmem>>) semaphore(%arg13 : memref<!tpu.dma_semaphore, #tpu.memory_space<semaphore_mem>>)
      } else {
      }
      %add3A_43 = arith.constant 1 : i32
      %add3A_44 = arith.addi %mul3A_32, %add3A_43 : i32
      %mul3A_45 = arith.constant 80 : i32
      %mul3A_46 = arith.muli %add3A_44, %mul3A_45 : i32
      %dma_wait3A_47 = tpu.memref_slice %arg7[%mul3A_46] : memref<10000xi32, #tpu.memory_space<vmem>> -> memref<80xi32, #tpu.memory_space<vmem>>
      %dma_wait3A_48 = arith.constant 0 : i32
      %dma_wait3A_49 = arith.constant 0 : i32
      %dma_wait3A_50 = tpu.memref_slice %arg5[%dma_wait3A_48, %dma_wait3A_49] : memref<10000x128xf32, #tpu.memory_space<hbm>> -> memref<10000x128xf32, #tpu.memory_space<hbm>>
      tpu.wait_indirect_dma semaphore(%arg14 : memref<!tpu.dma_semaphore, #tpu.memory_space<semaphore_mem>>) src(%dma_wait3A_50 : memref<10000x128xf32, #tpu.memory_space<hbm>>) dst(%arg10 : memref<80x128xf32, #tpu.memory_space<vmem>>)
      %add3A_51 = arith.constant 1 : i32
      %add3A_52 = arith.addi %mul3A_32, %add3A_51 : i32
      "tpu.region"() ({
        %run_scoped3A_60 = tpu.sem_alloc : memref<!tpu.dma_semaphore, #tpu.memory_space<semaphore_mem>>
        %dma_start3A_61 = arith.constant 0 : i32
        %dma_start3A_62 = tpu.memref_slice %arg8[%add3A_52, %dma_start3A_61] : memref<125x80xi32, #tpu.memory_space<vmem>> -> memref<1x80xi32, #tpu.memory_space<vmem>>
        %dma_start3A_63 = tpu.memref_squeeze %dma_start3A_62 : memref<1x80xi32, #tpu.memory_space<vmem>> -> memref<80xi32, #tpu.memory_space<vmem>>
        %dma_start3A_64 = arith.constant 0 : i32
        %dma_start3A_65 = arith.constant 0 : i32
        %dma_start3A_66 = tpu.memref_slice %arg12[%dma_start3A_64, %dma_start3A_65] : memref<10240x128xf32, #tpu.memory_space<vmem_shared>> -> memref<10240x128xf32, #tpu.memory_space<vmem_shared>>
        tpu.enqueue_indirect_dma source(%arg10 : memref<80x128xf32, #tpu.memory_space<vmem>>) target(%dma_start3A_66 : memref<10240x128xf32, #tpu.memory_space<vmem_shared>>) offsets(%dma_start3A_63 : memref<80xi32, #tpu.memory_space<vmem>>) semaphore(%run_scoped3A_60 : memref<!tpu.dma_semaphore, #tpu.memory_space<semaphore_mem>>) {add = true}
        %dma_wait3A_67 = arith.constant 0 : i32
        %dma_wait3A_68 = tpu.memref_slice %arg8[%add3A_52, %dma_wait3A_67] : memref<125x80xi32, #tpu.memory_space<vmem>> -> memref<1x80xi32, #tpu.memory_space<vmem>>
        %dma_wait3A_69 = tpu.memref_squeeze %dma_wait3A_68 : memref<1x80xi32, #tpu.memory_space<vmem>> -> memref<80xi32, #tpu.memory_space<vmem>>
        %dma_wait3A_70 = arith.constant 0 : i32
        %dma_wait3A_71 = arith.constant 0 : i32
        %dma_wait3A_72 = tpu.memref_slice %arg12[%dma_wait3A_70, %dma_wait3A_71] : memref<10240x128xf32, #tpu.memory_space<vmem_shared>> -> memref<10240x128xf32, #tpu.memory_space<vmem_shared>>
        tpu.wait_indirect_dma semaphore(%run_scoped3A_60 : memref<!tpu.dma_semaphore, #tpu.memory_space<semaphore_mem>>) src(%arg10 : memref<80x128xf32, #tpu.memory_space<vmem>>) dst(%dma_wait3A_72 : memref<10240x128xf32, #tpu.memory_space<vmem_shared>>)
        tpu.yield
      }) : () -> ()
      %add3A_53 = arith.constant 3 : i32
      %add3A_54 = arith.addi %mul3A_32, %add3A_53 : i32
      %lt3A_55 = arith.constant 125 : i32
      %lt3A_56 = arith.cmpi slt, %add3A_54, %lt3A_55 : i32
      %convert_element_type3A_57 = arith.extui %lt3A_56 : i1 to i32
      %cond3A_58 = arith.constant 0 : i32
      %cond3A_59 = arith.cmpi ne, %convert_element_type3A_57, %cond3A_58 : i32
      scf.if %cond3A_59 {
        %add3A_60 = arith.constant 3 : i32
        %add3A_61 = arith.addi %mul3A_32, %add3A_60 : i32
        %mul3A_62 = arith.constant 80 : i32
        %mul3A_63 = arith.muli %add3A_61, %mul3A_62 : i32
        %dma_start3A_64 = tpu.memref_slice %arg7[%mul3A_63] : memref<10000xi32, #tpu.memory_space<vmem>> -> memref<80xi32, #tpu.memory_space<vmem>>
        %dma_start3A_65 = arith.constant 0 : i32
        %dma_start3A_66 = arith.constant 0 : i32
        %dma_start3A_67 = tpu.memref_slice %arg5[%dma_start3A_65, %dma_start3A_66] : memref<10000x128xf32, #tpu.memory_space<hbm>> -> memref<10000x128xf32, #tpu.memory_space<hbm>>
        tpu.enqueue_indirect_dma source(%dma_start3A_67 : memref<10000x128xf32, #tpu.memory_space<hbm>>) target(%arg10 : memref<80x128xf32, #tpu.memory_space<vmem>>) offsets(%dma_start3A_64 : memref<80xi32, #tpu.memory_space<vmem>>) semaphore(%arg14 : memref<!tpu.dma_semaphore, #tpu.memory_space<semaphore_mem>>)
      } else {
      }
    }
    %scan3A_24 = arith.constant 62 : i32
    %dma_wait3A = arith.constant 9920 : i32
    %dma_wait3A_25 = tpu.memref_slice %arg7[%dma_wait3A] : memref<10000xi32, #tpu.memory_space<vmem>> -> memref<80xi32, #tpu.memory_space<vmem>>
    %dma_wait3A_26 = arith.constant 0 : i32
    %dma_wait3A_27 = arith.constant 0 : i32
    %dma_wait3A_28 = tpu.memref_slice %arg5[%dma_wait3A_26, %dma_wait3A_27] : memref<10000x128xf32, #tpu.memory_space<hbm>> -> memref<10000x128xf32, #tpu.memory_space<hbm>>
    tpu.wait_indirect_dma semaphore(%arg13 : memref<!tpu.dma_semaphore, #tpu.memory_space<semaphore_mem>>) src(%dma_wait3A_28 : memref<10000x128xf32, #tpu.memory_space<hbm>>) dst(%arg9 : memref<80x128xf32, #tpu.memory_space<vmem>>)
    %run_scoped3A = arith.constant 124 : i32
    "tpu.region"() ({
      %run_scoped3A_30 = tpu.sem_alloc : memref<!tpu.dma_semaphore, #tpu.memory_space<semaphore_mem>>
      %dma_start3A_31 = arith.constant 0 : i32
      %dma_start3A_32 = tpu.memref_slice %arg8[%run_scoped3A, %dma_start3A_31] : memref<125x80xi32, #tpu.memory_space<vmem>> -> memref<1x80xi32, #tpu.memory_space<vmem>>
      %dma_start3A_33 = tpu.memref_squeeze %dma_start3A_32 : memref<1x80xi32, #tpu.memory_space<vmem>> -> memref<80xi32, #tpu.memory_space<vmem>>
      %dma_start3A_34 = arith.constant 0 : i32
      %dma_start3A_35 = arith.constant 0 : i32
      %dma_start3A_36 = tpu.memref_slice %arg12[%dma_start3A_34, %dma_start3A_35] : memref<10240x128xf32, #tpu.memory_space<vmem_shared>> -> memref<10240x128xf32, #tpu.memory_space<vmem_shared>>
      tpu.enqueue_indirect_dma source(%arg9 : memref<80x128xf32, #tpu.memory_space<vmem>>) target(%dma_start3A_36 : memref<10240x128xf32, #tpu.memory_space<vmem_shared>>) offsets(%dma_start3A_33 : memref<80xi32, #tpu.memory_space<vmem>>) semaphore(%run_scoped3A_30 : memref<!tpu.dma_semaphore, #tpu.memory_space<semaphore_mem>>) {add = true}
      %dma_wait3A_37 = arith.constant 0 : i32
      %dma_wait3A_38 = tpu.memref_slice %arg8[%run_scoped3A, %dma_wait3A_37] : memref<125x80xi32, #tpu.memory_space<vmem>> -> memref<1x80xi32, #tpu.memory_space<vmem>>
      %dma_wait3A_39 = tpu.memref_squeeze %dma_wait3A_38 : memref<1x80xi32, #tpu.memory_space<vmem>> -> memref<80xi32, #tpu.memory_space<vmem>>
      %dma_wait3A_40 = arith.constant 0 : i32
      %dma_wait3A_41 = arith.constant 0 : i32
      %dma_wait3A_42 = tpu.memref_slice %arg12[%dma_wait3A_40, %dma_wait3A_41] : memref<10240x128xf32, #tpu.memory_space<vmem_shared>> -> memref<10240x128xf32, #tpu.memory_space<vmem_shared>>
      tpu.wait_indirect_dma semaphore(%run_scoped3A_30 : memref<!tpu.dma_semaphore, #tpu.memory_space<semaphore_mem>>) src(%arg9 : memref<80x128xf32, #tpu.memory_space<vmem>>) dst(%dma_wait3A_42 : memref<10240x128xf32, #tpu.memory_space<vmem_shared>>)
      tpu.yield
    }) : () -> ()
    %barrier3A_29 = arith.constant 0 : index
    tpu.barrier barrier_id(%barrier3A_29)
    "tpu.region"() ({
      %run_scoped3A_30 = tpu.sem_alloc : memref<!tpu.dma_semaphore, #tpu.memory_space<semaphore_mem>>
      %dma_start3A_31 = arith.constant 0 : i32
      %dma_start3A_32 = tpu.memref_slice %arg6[%arg0, %mul3A_4, %dma_start3A_31] : memref<2x10240x128xf32, #tpu.memory_space<hbm>> -> memref<1x640x128xf32, #tpu.memory_space<hbm>>
      %dma_start3A_33 = tpu.memref_squeeze %dma_start3A_32 : memref<1x640x128xf32, #tpu.memory_space<hbm>> -> memref<640x128xf32, #tpu.memory_space<hbm>>
      %dma_start3A_34 = arith.constant 0 : i32
      %dma_start3A_35 = tpu.memref_slice %arg12[%mul3A_4, %dma_start3A_34] : memref<10240x128xf32, #tpu.memory_space<vmem_shared>> -> memref<640x128xf32, #tpu.memory_space<vmem_shared>>
      tpu.enqueue_dma source(%dma_start3A_35 : memref<640x128xf32, #tpu.memory_space<vmem_shared>>) target(%dma_start3A_33 : memref<640x128xf32, #tpu.memory_space<hbm>>) target_semaphore(%run_scoped3A_30 : memref<!tpu.dma_semaphore, #tpu.memory_space<semaphore_mem>>)
      %dma_wait3A_36 = arith.constant 0 : i32
      %dma_wait3A_37 = tpu.memref_slice %arg6[%arg0, %mul3A_4, %dma_wait3A_36] : memref<2x10240x128xf32, #tpu.memory_space<hbm>> -> memref<1x640x128xf32, #tpu.memory_space<hbm>>
      %dma_wait3A_38 = tpu.memref_squeeze %dma_wait3A_37 : memref<1x640x128xf32, #tpu.memory_space<hbm>> -> memref<640x128xf32, #tpu.memory_space<hbm>>
      %dma_wait3A_39 = arith.constant 0 : i32
      %dma_wait3A_40 = tpu.memref_slice %arg12[%mul3A_4, %dma_wait3A_39] : memref<10240x128xf32, #tpu.memory_space<vmem_shared>> -> memref<640x128xf32, #tpu.memory_space<vmem_shared>>
      tpu.wait_dma2 semaphore(%run_scoped3A_30 : memref<!tpu.dma_semaphore, #tpu.memory_space<semaphore_mem>>) src(%dma_wait3A_40 : memref<640x128xf32, #tpu.memory_space<vmem_shared>>) dst(%dma_wait3A_38 : memref<640x128xf32, #tpu.memory_space<hbm>>)
      tpu.yield
    }) : () -> ()
    return
  }
}

#map = affine_map<(d0, d1) -> (0, 0, 0)>
#map1 = affine_map<(d0, d1) -> (0, 0)>
module attributes {stable_mosaic.version = 14 : i64} {
  func.func @_degsum(%arg0: i32, %arg1: i32, %arg2: memref<32x125x80xi32, #tpu.memory_space<hbm>>, %arg3: memref<80x128xf32, #tpu.memory_space<hbm>>, %arg4: memref<8x128xf32, #tpu.memory_space<hbm>>, %arg5: memref<2x10240x128xf32, #tpu.memory_space<hbm>>, %arg6: memref<125x80xi32, #tpu.memory_space<vmem>>, %arg7: memref<80x128xf32, #tpu.memory_space<vmem>>, %arg8: memref<8x128xf32, #tpu.memory_space<vmem>>, %arg9: memref<10240x128xf32, #tpu.memory_space<vmem_shared>>, %arg10: memref<!tpu.dma_semaphore, #tpu.memory_space<semaphore_mem>>) attributes {dimension_semantics = [#tpu.dimension_semantics<core_parallel>, #tpu.dimension_semantics<subcore_parallel>], iteration_bounds = array<i64: 2, 16>, scalar_prefetch = 0 : i64, scratch_operands = 5 : i64, tpu.core_type = #tpu.core_type<sc_vector_subcore>, window_params = [{transform_indices = #map}, {transform_indices = #map1}, {transform_indices = #map1}, {transform_indices = #map}]} {
    %mul3A = arith.constant 2 : i32
    %mul3A_0 = arith.muli %arg1, %mul3A : i32
    %add3A = arith.addi %mul3A_0, %arg0 : i32
    "tpu.region"() ({
      %run_scoped3A = tpu.sem_alloc : memref<!tpu.dma_semaphore, #tpu.memory_space<semaphore_mem>>
      %dma_start3A = arith.constant 0 : i32
      %dma_start3A_21 = arith.constant 0 : i32
      %dma_start3A_22 = tpu.memref_slice %arg2[%add3A, %dma_start3A, %dma_start3A_21] : memref<32x125x80xi32, #tpu.memory_space<hbm>> -> memref<1x125x80xi32, #tpu.memory_space<hbm>>
      %dma_start3A_23 = tpu.memref_squeeze %dma_start3A_22 : memref<1x125x80xi32, #tpu.memory_space<hbm>> -> memref<125x80xi32, #tpu.memory_space<hbm>>
      %dma_start3A_24 = arith.constant 0 : i32
      %dma_start3A_25 = arith.constant 0 : i32
      %dma_start3A_26 = tpu.memref_slice %arg2[%add3A, %dma_start3A_24, %dma_start3A_25] : memref<32x125x80xi32, #tpu.memory_space<hbm>> -> memref<1x125x80xi32, #tpu.memory_space<hbm>>
      %dma_start3A_27 = tpu.memref_squeeze %dma_start3A_26 : memref<1x125x80xi32, #tpu.memory_space<hbm>> -> memref<125x80xi32, #tpu.memory_space<hbm>>
      tpu.enqueue_dma source(%dma_start3A_27 : memref<125x80xi32, #tpu.memory_space<hbm>>) target(%arg6 : memref<125x80xi32, #tpu.memory_space<vmem>>) target_semaphore(%run_scoped3A : memref<!tpu.dma_semaphore, #tpu.memory_space<semaphore_mem>>)
      %dma_wait3A = arith.constant 0 : i32
      %dma_wait3A_28 = arith.constant 0 : i32
      %dma_wait3A_29 = tpu.memref_slice %arg2[%add3A, %dma_wait3A, %dma_wait3A_28] : memref<32x125x80xi32, #tpu.memory_space<hbm>> -> memref<1x125x80xi32, #tpu.memory_space<hbm>>
      %dma_wait3A_30 = tpu.memref_squeeze %dma_wait3A_29 : memref<1x125x80xi32, #tpu.memory_space<hbm>> -> memref<125x80xi32, #tpu.memory_space<hbm>>
      %dma_wait3A_31 = arith.constant 0 : i32
      %dma_wait3A_32 = arith.constant 0 : i32
      %dma_wait3A_33 = tpu.memref_slice %arg2[%add3A, %dma_wait3A_31, %dma_wait3A_32] : memref<32x125x80xi32, #tpu.memory_space<hbm>> -> memref<1x125x80xi32, #tpu.memory_space<hbm>>
      %dma_wait3A_34 = tpu.memref_squeeze %dma_wait3A_33 : memref<1x125x80xi32, #tpu.memory_space<hbm>> -> memref<125x80xi32, #tpu.memory_space<hbm>>
      tpu.wait_dma2 semaphore(%run_scoped3A : memref<!tpu.dma_semaphore, #tpu.memory_space<semaphore_mem>>) src(%dma_wait3A_34 : memref<125x80xi32, #tpu.memory_space<hbm>>) dst(%arg6 : memref<125x80xi32, #tpu.memory_space<vmem>>)
      tpu.yield
    }) : () -> ()
    "tpu.region"() ({
      %run_scoped3A = tpu.sem_alloc : memref<!tpu.dma_semaphore, #tpu.memory_space<semaphore_mem>>
      tpu.enqueue_dma source(%arg4 : memref<8x128xf32, #tpu.memory_space<hbm>>) target(%arg8 : memref<8x128xf32, #tpu.memory_space<vmem>>) target_semaphore(%run_scoped3A : memref<!tpu.dma_semaphore, #tpu.memory_space<semaphore_mem>>)
      tpu.wait_dma2 semaphore(%run_scoped3A : memref<!tpu.dma_semaphore, #tpu.memory_space<semaphore_mem>>) src(%arg4 : memref<8x128xf32, #tpu.memory_space<hbm>>) dst(%arg8 : memref<8x128xf32, #tpu.memory_space<vmem>>)
      tpu.yield
    }) : () -> ()
    "tpu.region"() ({
      %run_scoped3A = tpu.sem_alloc : memref<!tpu.dma_semaphore, #tpu.memory_space<semaphore_mem>>
      tpu.enqueue_dma source(%arg3 : memref<80x128xf32, #tpu.memory_space<hbm>>) target(%arg7 : memref<80x128xf32, #tpu.memory_space<vmem>>) target_semaphore(%run_scoped3A : memref<!tpu.dma_semaphore, #tpu.memory_space<semaphore_mem>>)
      tpu.wait_dma2 semaphore(%run_scoped3A : memref<!tpu.dma_semaphore, #tpu.memory_space<semaphore_mem>>) src(%arg3 : memref<80x128xf32, #tpu.memory_space<hbm>>) dst(%arg7 : memref<80x128xf32, #tpu.memory_space<vmem>>)
      tpu.yield
    }) : () -> ()
    %mul3A_1 = arith.constant 640 : i32
    %mul3A_2 = arith.muli %arg1, %mul3A_1 : i32
    %scan3A = arith.constant 0 : i32
    %scan3A_3 = arith.constant 0 : i32
    %scan3A_4 = arith.constant 80 : i32
    %scan3A_5 = arith.addi %scan3A_3, %scan3A_4 : i32
    %scan3A_6 = arith.constant 1 : i32
    scf.for %scan3A_21 = %scan3A_3 to %scan3A_5 step %scan3A_6  : i32 {
      %mul3A_22 = arith.constant 8 : i32
      %mul3A_23 = arith.muli %scan3A_21, %mul3A_22 : i32
      %add3A_24 = arith.addi %mul3A_2, %mul3A_23 : i32
      "tpu.region"() ({
        %run_scoped3A = tpu.sem_alloc : memref<!tpu.dma_semaphore, #tpu.memory_space<semaphore_mem>>
        %dma_start3A = arith.constant 0 : i32
        %dma_start3A_25 = tpu.memref_slice %arg9[%add3A_24, %dma_start3A] : memref<10240x128xf32, #tpu.memory_space<vmem_shared>> -> memref<8x128xf32, #tpu.memory_space<vmem_shared>>
        %dma_start3A_26 = arith.constant 0 : i32
        %dma_start3A_27 = tpu.memref_slice %arg9[%add3A_24, %dma_start3A_26] : memref<10240x128xf32, #tpu.memory_space<vmem_shared>> -> memref<8x128xf32, #tpu.memory_space<vmem_shared>>
        tpu.enqueue_dma source(%arg8 : memref<8x128xf32, #tpu.memory_space<vmem>>) target(%dma_start3A_27 : memref<8x128xf32, #tpu.memory_space<vmem_shared>>) target_semaphore(%run_scoped3A : memref<!tpu.dma_semaphore, #tpu.memory_space<semaphore_mem>>)
        %dma_wait3A = arith.constant 0 : i32
        %dma_wait3A_28 = tpu.memref_slice %arg9[%add3A_24, %dma_wait3A] : memref<10240x128xf32, #tpu.memory_space<vmem_shared>> -> memref<8x128xf32, #tpu.memory_space<vmem_shared>>
        %dma_wait3A_29 = arith.constant 0 : i32
        %dma_wait3A_30 = tpu.memref_slice %arg9[%add3A_24, %dma_wait3A_29] : memref<10240x128xf32, #tpu.memory_space<vmem_shared>> -> memref<8x128xf32, #tpu.memory_space<vmem_shared>>
        tpu.wait_dma2 semaphore(%run_scoped3A : memref<!tpu.dma_semaphore, #tpu.memory_space<semaphore_mem>>) src(%arg8 : memref<8x128xf32, #tpu.memory_space<vmem>>) dst(%dma_wait3A_30 : memref<8x128xf32, #tpu.memory_space<vmem_shared>>)
        tpu.yield
      }) : () -> ()
    }
    %scan3A_7 = arith.constant 80 : i32
    %barrier3A = arith.constant 0 : index
    tpu.barrier barrier_id(%barrier3A)
    %scan3A_8 = arith.constant 0 : i32
    %scan3A_9 = arith.constant 0 : i32
    %scan3A_10 = arith.constant 125 : i32
    %scan3A_11 = arith.addi %scan3A_9, %scan3A_10 : i32
    %scan3A_12 = arith.constant 1 : i32
    scf.for %scan3A_21 = %scan3A_9 to %scan3A_11 step %scan3A_12  : i32 {
      %dma_start3A = arith.constant 0 : i32
      %dma_start3A_22 = tpu.memref_slice %arg6[%scan3A_21, %dma_start3A] : memref<125x80xi32, #tpu.memory_space<vmem>> -> memref<1x80xi32, #tpu.memory_space<vmem>>
      %dma_start3A_23 = tpu.memref_squeeze %dma_start3A_22 : memref<1x80xi32, #tpu.memory_space<vmem>> -> memref<80xi32, #tpu.memory_space<vmem>>
      %dma_start3A_24 = arith.constant 0 : i32
      %dma_start3A_25 = arith.constant 0 : i32
      %dma_start3A_26 = tpu.memref_slice %arg9[%dma_start3A_24, %dma_start3A_25] : memref<10240x128xf32, #tpu.memory_space<vmem_shared>> -> memref<10240x128xf32, #tpu.memory_space<vmem_shared>>
      tpu.enqueue_indirect_dma source(%arg7 : memref<80x128xf32, #tpu.memory_space<vmem>>) target(%dma_start3A_26 : memref<10240x128xf32, #tpu.memory_space<vmem_shared>>) offsets(%dma_start3A_23 : memref<80xi32, #tpu.memory_space<vmem>>) semaphore(%arg10 : memref<!tpu.dma_semaphore, #tpu.memory_space<semaphore_mem>>) {add = true}
      %ge3A = arith.constant 4 : i32
      %ge3A_27 = arith.cmpi sge, %scan3A_21, %ge3A : i32
      %convert_element_type3A = arith.extui %ge3A_27 : i1 to i32
      %cond3A = arith.constant 0 : i32
      %cond3A_28 = arith.cmpi ne, %convert_element_type3A, %cond3A : i32
      scf.if %cond3A_28 {
        %dma_wait3A = arith.constant 0 : i32
        %dma_wait3A_29 = tpu.memref_slice %arg6[%scan3A_21, %dma_wait3A] : memref<125x80xi32, #tpu.memory_space<vmem>> -> memref<1x80xi32, #tpu.memory_space<vmem>>
        %dma_wait3A_30 = tpu.memref_squeeze %dma_wait3A_29 : memref<1x80xi32, #tpu.memory_space<vmem>> -> memref<80xi32, #tpu.memory_space<vmem>>
        %dma_wait3A_31 = arith.constant 0 : i32
        %dma_wait3A_32 = arith.constant 0 : i32
        %dma_wait3A_33 = tpu.memref_slice %arg9[%dma_wait3A_31, %dma_wait3A_32] : memref<10240x128xf32, #tpu.memory_space<vmem_shared>> -> memref<10240x128xf32, #tpu.memory_space<vmem_shared>>
        tpu.wait_indirect_dma semaphore(%arg10 : memref<!tpu.dma_semaphore, #tpu.memory_space<semaphore_mem>>) src(%arg7 : memref<80x128xf32, #tpu.memory_space<vmem>>) dst(%dma_wait3A_33 : memref<10240x128xf32, #tpu.memory_space<vmem_shared>>)
      } else {
      }
    }
    %scan3A_13 = arith.constant 125 : i32
    %scan3A_14 = arith.constant 0 : i32
    %scan3A_15 = arith.constant 0 : i32
    %scan3A_16 = arith.constant 4 : i32
    %scan3A_17 = arith.addi %scan3A_15, %scan3A_16 : i32
    %scan3A_18 = arith.constant 1 : i32
    scf.for %scan3A_21 = %scan3A_15 to %scan3A_17 step %scan3A_18  : i32 {
      %dma_wait3A = arith.constant 0 : i32
      %dma_wait3A_22 = tpu.memref_slice %arg6[%scan3A_21, %dma_wait3A] : memref<125x80xi32, #tpu.memory_space<vmem>> -> memref<1x80xi32, #tpu.memory_space<vmem>>
      %dma_wait3A_23 = tpu.memref_squeeze %dma_wait3A_22 : memref<1x80xi32, #tpu.memory_space<vmem>> -> memref<80xi32, #tpu.memory_space<vmem>>
      %dma_wait3A_24 = arith.constant 0 : i32
      %dma_wait3A_25 = arith.constant 0 : i32
      %dma_wait3A_26 = tpu.memref_slice %arg9[%dma_wait3A_24, %dma_wait3A_25] : memref<10240x128xf32, #tpu.memory_space<vmem_shared>> -> memref<10240x128xf32, #tpu.memory_space<vmem_shared>>
      tpu.wait_indirect_dma semaphore(%arg10 : memref<!tpu.dma_semaphore, #tpu.memory_space<semaphore_mem>>) src(%arg7 : memref<80x128xf32, #tpu.memory_space<vmem>>) dst(%dma_wait3A_26 : memref<10240x128xf32, #tpu.memory_space<vmem_shared>>)
    }
    %scan3A_19 = arith.constant 4 : i32
    %barrier3A_20 = arith.constant 0 : index
    tpu.barrier barrier_id(%barrier3A_20)
    "tpu.region"() ({
      %run_scoped3A = tpu.sem_alloc : memref<!tpu.dma_semaphore, #tpu.memory_space<semaphore_mem>>
      %dma_start3A = arith.constant 0 : i32
      %dma_start3A_21 = tpu.memref_slice %arg5[%arg0, %mul3A_2, %dma_start3A] : memref<2x10240x128xf32, #tpu.memory_space<hbm>> -> memref<1x640x128xf32, #tpu.memory_space<hbm>>
      %dma_start3A_22 = tpu.memref_squeeze %dma_start3A_21 : memref<1x640x128xf32, #tpu.memory_space<hbm>> -> memref<640x128xf32, #tpu.memory_space<hbm>>
      %dma_start3A_23 = arith.constant 0 : i32
      %dma_start3A_24 = tpu.memref_slice %arg9[%mul3A_2, %dma_start3A_23] : memref<10240x128xf32, #tpu.memory_space<vmem_shared>> -> memref<640x128xf32, #tpu.memory_space<vmem_shared>>
      tpu.enqueue_dma source(%dma_start3A_24 : memref<640x128xf32, #tpu.memory_space<vmem_shared>>) target(%dma_start3A_22 : memref<640x128xf32, #tpu.memory_space<hbm>>) target_semaphore(%run_scoped3A : memref<!tpu.dma_semaphore, #tpu.memory_space<semaphore_mem>>)
      %dma_wait3A = arith.constant 0 : i32
      %dma_wait3A_25 = tpu.memref_slice %arg5[%arg0, %mul3A_2, %dma_wait3A] : memref<2x10240x128xf32, #tpu.memory_space<hbm>> -> memref<1x640x128xf32, #tpu.memory_space<hbm>>
      %dma_wait3A_26 = tpu.memref_squeeze %dma_wait3A_25 : memref<1x640x128xf32, #tpu.memory_space<hbm>> -> memref<640x128xf32, #tpu.memory_space<hbm>>
      %dma_wait3A_27 = arith.constant 0 : i32
      %dma_wait3A_28 = tpu.memref_slice %arg9[%mul3A_2, %dma_wait3A_27] : memref<10240x128xf32, #tpu.memory_space<vmem_shared>> -> memref<640x128xf32, #tpu.memory_space<vmem_shared>>
      tpu.wait_dma2 semaphore(%run_scoped3A : memref<!tpu.dma_semaphore, #tpu.memory_space<semaphore_mem>>) src(%dma_wait3A_28 : memref<640x128xf32, #tpu.memory_space<vmem_shared>>) dst(%dma_wait3A_26 : memref<640x128xf32, #tpu.memory_space<hbm>>)
      tpu.yield
    }) : () -> ()
    return
  }
}

module attributes {stable_mosaic.version = 14 : i64} {
  func.func @_t0_body(%arg0: i32, %arg1: memref<1000x128xf32, #tpu.memory_space<vmem>>, %arg2: memref<1000x128xf32, #tpu.memory_space<vmem>>, %arg3: memref<128x128xf32, #tpu.memory_space<vmem>>, %arg4: memref<128x128xf32, #tpu.memory_space<vmem>>, %arg5: memref<1000x128xf32, #tpu.memory_space<vmem>>) attributes {dimension_semantics = [#tpu.dimension_semantics<arbitrary>], iteration_bounds = array<i64: 10>, scalar_prefetch = 0 : i64, scratch_operands = 0 : i64, tpu.core_type = #tpu.core_type<tc>, window_params = [{transform_indices = @transform_0, window_bounds = array<i64: 1000, 128>}, {transform_indices = @transform_1, window_bounds = array<i64: 1000, 128>}, {pipeline_mode = #tpu.pipeline_mode<synchronous>, transform_indices = @transform_2, window_bounds = array<i64: 128, 128>}, {pipeline_mode = #tpu.pipeline_mode<synchronous>, transform_indices = @transform_3, window_bounds = array<i64: 128, 128>}, {transform_indices = @transform_4, window_bounds = array<i64: 1000, 128>}]} {
    %get3A = arith.constant 0 : index
    %get3A_0 = arith.constant 0 : index
    %get3A_1 = vector.load %arg1[%get3A, %get3A_0] : memref<1000x128xf32, #tpu.memory_space<vmem>>, vector<1000x128xf32>
    %get3A_2 = arith.constant 0 : index
    %get3A_3 = arith.constant 0 : index
    %get3A_4 = vector.load %arg3[%get3A_2, %get3A_3] : memref<128x128xf32, #tpu.memory_space<vmem>>, vector<128x128xf32>
    %dot_general3A = arith.constant dense<0.000000e+00> : vector<1000x128xf32>
    %dot_general3A_5 = tpu.matmul %get3A_1, %get3A_4, %dot_general3A {dimension_numbers = #tpu.dot_dimension_numbers<[1], [0], [0], [1], [0, 0, 1, 1], [], []>, transpose_lhs_hint = false} : vector<1000x128xf32>, vector<128x128xf32>, vector<1000x128xf32> -> vector<1000x128xf32>
    %get3A_6 = arith.constant 0 : index
    %get3A_7 = arith.constant 0 : index
    %get3A_8 = vector.load %arg2[%get3A_6, %get3A_7] : memref<1000x128xf32, #tpu.memory_space<vmem>>, vector<1000x128xf32>
    %get3A_9 = arith.constant 0 : index
    %get3A_10 = arith.constant 0 : index
    %get3A_11 = vector.load %arg4[%get3A_9, %get3A_10] : memref<128x128xf32, #tpu.memory_space<vmem>>, vector<128x128xf32>
    %dot_general3A_12 = arith.constant dense<0.000000e+00> : vector<1000x128xf32>
    %dot_general3A_13 = tpu.matmul %get3A_8, %get3A_11, %dot_general3A_12 {dimension_numbers = #tpu.dot_dimension_numbers<[1], [0], [0], [1], [0, 0, 1, 1], [], []>, transpose_lhs_hint = false} : vector<1000x128xf32>, vector<128x128xf32>, vector<1000x128xf32> -> vector<1000x128xf32>
    %add3A = arith.addf %dot_general3A_5, %dot_general3A_13 : vector<1000x128xf32>
    %swap3A = arith.constant 0 : index
    %swap3A_14 = arith.constant 0 : index
    %swap3A_15 = vector.load %arg5[%swap3A, %swap3A_14] : memref<1000x128xf32, #tpu.memory_space<vmem>>, vector<1000x128xf32>
    tpu.vector_store %arg5[%swap3A, %swap3A_14], %add3A {strides = array<i32>} : memref<1000x128xf32, #tpu.memory_space<vmem>>, vector<1000x128xf32>,
    return
  }
  func.func @transform_0(%arg0: i32) -> (i32, i32) {
    %c0_i32 = arith.constant 0 : i32
    %c0_i32_0 = arith.constant 0 : i32
    return %arg0, %c0_i32 : i32, i32
  }
  func.func @transform_1(%arg0: i32) -> (i32, i32) {
    %c0_i32 = arith.constant 0 : i32
    %c0_i32_0 = arith.constant 0 : i32
    return %arg0, %c0_i32 : i32, i32
  }
  func.func @transform_2(%arg0: i32) -> (i32, i32) {
    %c0_i32 = arith.constant 0 : i32
    %c0_i32_0 = arith.constant 0 : i32
    %c0_i32_1 = arith.constant 0 : i32
    return %c0_i32, %c0_i32_0 : i32, i32
  }
  func.func @transform_3(%arg0: i32) -> (i32, i32) {
    %c0_i32 = arith.constant 0 : i32
    %c0_i32_0 = arith.constant 0 : i32
    %c0_i32_1 = arith.constant 0 : i32
    return %c0_i32, %c0_i32_0 : i32, i32
  }
  func.func @transform_4(%arg0: i32) -> (i32, i32) {
    %c0_i32 = arith.constant 0 : i32
    %c0_i32_0 = arith.constant 0 : i32
    return %arg0, %c0_i32 : i32, i32
  }
}

module attributes {stable_mosaic.version = 14 : i64} {
  func.func @_t1_body(%arg0: i32, %arg1: memref<1x1000x128xf32, #tpu.memory_space<vmem>>, %arg2: memref<1x1000x128xf32, #tpu.memory_space<vmem>>, %arg3: memref<1x1000x128xf32, #tpu.memory_space<vmem>>, %arg4: memref<1x1000x128xf32, #tpu.memory_space<vmem>>, %arg5: memref<1000x128xf32, #tpu.memory_space<vmem>>, %arg6: memref<1000x128xf32, #tpu.memory_space<vmem>>, %arg7: memref<128x128xf32, #tpu.memory_space<vmem>>, %arg8: memref<128x128xf32, #tpu.memory_space<vmem>>, %arg9: memref<1x128xf32, #tpu.memory_space<vmem>>, %arg10: memref<128x128xf32, #tpu.memory_space<vmem>>, %arg11: memref<1000x128xf32, #tpu.memory_space<vmem>>, %arg12: memref<1000x128xf32, #tpu.memory_space<vmem>>, %arg13: memref<1000x8xf32, #tpu.memory_space<vmem>>) attributes {dimension_semantics = [#tpu.dimension_semantics<arbitrary>], iteration_bounds = array<i64: 10>, scalar_prefetch = 0 : i64, scratch_operands = 0 : i64, tpu.core_type = #tpu.core_type<tc>, window_params = [{transform_indices = @transform_0, window_bounds = array<i64: 1, 1000, 128>}, {transform_indices = @transform_1, window_bounds = array<i64: 1, 1000, 128>}, {transform_indices = @transform_2, window_bounds = array<i64: 1, 1000, 128>}, {transform_indices = @transform_3, window_bounds = array<i64: 1, 1000, 128>}, {transform_indices = @transform_4, window_bounds = array<i64: 1000, 128>}, {transform_indices = @transform_5, window_bounds = array<i64: 1000, 128>}, {pipeline_mode = #tpu.pipeline_mode<synchronous>, transform_indices = @transform_6, window_bounds = array<i64: 128, 128>}, {pipeline_mode = #tpu.pipeline_mode<synchronous>, transform_indices = @transform_7, window_bounds = array<i64: 128, 128>}, {pipeline_mode = #tpu.pipeline_mode<synchronous>, transform_indices = @transform_8, window_bounds = array<i64: 1, 128>}, {pipeline_mode = #tpu.pipeline_mode<synchronous>, transform_indices = @transform_9, window_bounds = array<i64: 128, 128>}, {transform_indices = @transform_10, window_bounds = array<i64: 1000, 128>}, {transform_indices = @transform_11, window_bounds = array<i64: 1000, 128>}, {transform_indices = @transform_12, window_bounds = array<i64: 1000, 8>}]} {
    %get3A = arith.constant 0 : index
    %get3A_0 = arith.constant 0 : index
    %get3A_1 = arith.constant 0 : index
    %get3A_2 = vector.load %arg3[%get3A, %get3A_0, %get3A_1] : memref<1x1000x128xf32, #tpu.memory_space<vmem>>, vector<1x1000x128xf32>
    %get3A_3 = vector.shape_cast %get3A_2 : vector<1x1000x128xf32> to vector<1000x128xf32>
    %get3A_4 = arith.constant 0 : index
    %get3A_5 = arith.constant 0 : index
    %get3A_6 = arith.constant 0 : index
    %get3A_7 = vector.load %arg4[%get3A_4, %get3A_5, %get3A_6] : memref<1x1000x128xf32, #tpu.memory_space<vmem>>, vector<1x1000x128xf32>
    %get3A_8 = vector.shape_cast %get3A_7 : vector<1x1000x128xf32> to vector<1000x128xf32>
    %add3A = arith.addf %get3A_3, %get3A_8 : vector<1000x128xf32>
    %slice3A = vector.extract_strided_slice %add3A {offsets = [0, 0], sizes = [1000, 1], strides = [1, 1]} : vector<1000x128xf32> to vector<1000x1xf32>
    %max3A = arith.constant 1.000000e+00 : f32
    %max3A_9 = vector.broadcast %max3A : f32 to vector<1000x1xf32>
    %max3A_10 = arith.maximumf %slice3A, %max3A_9 : vector<1000x1xf32>
    %div3A = arith.constant 1.000000e+00 : f32
    %div3A_11 = vector.broadcast %div3A : f32 to vector<1000x1xf32>
    %div3A_12 = arith.divf %div3A_11, %max3A_10 : vector<1000x1xf32>
    %get3A_13 = arith.constant 0 : index
    %get3A_14 = arith.constant 0 : index
    %get3A_15 = arith.constant 0 : index
    %get3A_16 = vector.load %arg1[%get3A_13, %get3A_14, %get3A_15] : memref<1x1000x128xf32, #tpu.memory_space<vmem>>, vector<1x1000x128xf32>
    %get3A_17 = vector.shape_cast %get3A_16 : vector<1x1000x128xf32> to vector<1000x128xf32>
    %get3A_18 = arith.constant 0 : index
    %get3A_19 = arith.constant 0 : index
    %get3A_20 = arith.constant 0 : index
    %get3A_21 = vector.load %arg2[%get3A_18, %get3A_19, %get3A_20] : memref<1x1000x128xf32, #tpu.memory_space<vmem>>, vector<1x1000x128xf32>
    %get3A_22 = vector.shape_cast %get3A_21 : vector<1x1000x128xf32> to vector<1000x128xf32>
    %add3A_23 = arith.addf %get3A_17, %get3A_22 : vector<1000x128xf32>
    %get3A_24 = arith.constant 0 : index
    %get3A_25 = arith.constant 0 : index
    %get3A_26 = vector.load %arg5[%get3A_24, %get3A_25] : memref<1000x128xf32, #tpu.memory_space<vmem>>, vector<1000x128xf32>
    %get3A_27 = arith.constant 0 : index
    %get3A_28 = arith.constant 0 : index
    %get3A_29 = vector.load %arg7[%get3A_27, %get3A_28] : memref<128x128xf32, #tpu.memory_space<vmem>>, vector<128x128xf32>
    %dot_general3A = arith.constant dense<0.000000e+00> : vector<1000x128xf32>
    %dot_general3A_30 = tpu.matmul %get3A_26, %get3A_29, %dot_general3A {dimension_numbers = #tpu.dot_dimension_numbers<[1], [0], [0], [1], [0, 0, 1, 1], [], []>, transpose_lhs_hint = false} : vector<1000x128xf32>, vector<128x128xf32>, vector<1000x128xf32> -> vector<1000x128xf32>
    %get3A_31 = arith.constant 0 : index
    %get3A_32 = arith.constant 0 : index
    %get3A_33 = vector.load %arg6[%get3A_31, %get3A_32] : memref<1000x128xf32, #tpu.memory_space<vmem>>, vector<1000x128xf32>
    %get3A_34 = arith.constant 0 : index
    %get3A_35 = arith.constant 0 : index
    %get3A_36 = vector.load %arg8[%get3A_34, %get3A_35] : memref<128x128xf32, #tpu.memory_space<vmem>>, vector<128x128xf32>
    %dot_general3A_37 = arith.constant dense<0.000000e+00> : vector<1000x128xf32>
    %dot_general3A_38 = tpu.matmul %get3A_33, %get3A_36, %dot_general3A_37 {dimension_numbers = #tpu.dot_dimension_numbers<[1], [0], [0], [1], [0, 0, 1, 1], [], []>, transpose_lhs_hint = false} : vector<1000x128xf32>, vector<128x128xf32>, vector<1000x128xf32> -> vector<1000x128xf32>
    %add3A_39 = arith.addf %dot_general3A_30, %dot_general3A_38 : vector<1000x128xf32>
    %mul3A = vector.broadcast %div3A_12 : vector<1000x1xf32> to vector<1000x128xf32>
    %mul3A_40 = arith.mulf %add3A_23, %mul3A : vector<1000x128xf32>
    %add3A_41 = arith.addf %add3A_39, %mul3A_40 : vector<1000x128xf32>
    %get3A_42 = arith.constant 0 : index
    %get3A_43 = arith.constant 0 : index
    %get3A_44 = vector.load %arg9[%get3A_42, %get3A_43] : memref<1x128xf32, #tpu.memory_space<vmem>>, vector<1x128xf32>
    %add3A_45 = vector.broadcast %get3A_44 : vector<1x128xf32> to vector<1000x128xf32>
    %add3A_46 = arith.addf %add3A_41, %add3A_45 : vector<1000x128xf32>
    %max3A_47 = arith.constant 0.000000e+00 : f32
    %max3A_48 = vector.broadcast %max3A_47 : f32 to vector<1000x128xf32>
    %max3A_49 = arith.maximumf %add3A_46, %max3A_48 : vector<1000x128xf32>
    %swap3A = arith.constant 0 : index
    %swap3A_50 = arith.constant 0 : index
    %swap3A_51 = vector.load %arg11[%swap3A, %swap3A_50] : memref<1000x128xf32, #tpu.memory_space<vmem>>, vector<1000x128xf32>
    tpu.vector_store %arg11[%swap3A, %swap3A_50], %max3A_49 {strides = array<i32>} : memref<1000x128xf32, #tpu.memory_space<vmem>>, vector<1000x128xf32>,
    %get3A_52 = arith.constant 0 : index
    %get3A_53 = arith.constant 0 : index
    %get3A_54 = vector.load %arg10[%get3A_52, %get3A_53] : memref<128x128xf32, #tpu.memory_space<vmem>>, vector<128x128xf32>
    %dot_general3A_55 = arith.constant dense<0.000000e+00> : vector<1000x128xf32>
    %dot_general3A_56 = tpu.matmul %max3A_49, %get3A_54, %dot_general3A_55 {dimension_numbers = #tpu.dot_dimension_numbers<[1], [0], [0], [1], [0, 0, 1, 1], [], []>, transpose_lhs_hint = false} : vector<1000x128xf32>, vector<128x128xf32>, vector<1000x128xf32> -> vector<1000x128xf32>
    %swap3A_57 = arith.constant 0 : index
    %swap3A_58 = arith.constant 0 : index
    %swap3A_59 = vector.load %arg12[%swap3A_57, %swap3A_58] : memref<1000x128xf32, #tpu.memory_space<vmem>>, vector<1000x128xf32>
    tpu.vector_store %arg12[%swap3A_57, %swap3A_58], %dot_general3A_56 {strides = array<i32>} : memref<1000x128xf32, #tpu.memory_space<vmem>>, vector<1000x128xf32>,
    %broadcast_in_dim3A = vector.shape_cast %div3A_12 : vector<1000x1xf32> to vector<1000x1xf32>
    %broadcast_in_dim3A_60 = vector.broadcast %broadcast_in_dim3A : vector<1000x1xf32> to vector<1000x8xf32>
    %swap3A_61 = arith.constant 0 : index
    %swap3A_62 = arith.constant 0 : index
    %swap3A_63 = vector.load %arg13[%swap3A_61, %swap3A_62] : memref<1000x8xf32, #tpu.memory_space<vmem>>, vector<1000x8xf32>
    tpu.vector_store %arg13[%swap3A_61, %swap3A_62], %broadcast_in_dim3A_60 {strides = array<i32>} : memref<1000x8xf32, #tpu.memory_space<vmem>>, vector<1000x8xf32>,
    return
  }
  func.func @transform_0(%arg0: i32) -> (i32, i32, i32) {
    %c0_i32 = arith.constant 0 : i32
    %c0_i32_0 = arith.constant 0 : i32
    %c0_i32_1 = arith.constant 0 : i32
    return %c0_i32, %arg0, %c0_i32_0 : i32, i32, i32
  }
  func.func @transform_1(%arg0: i32) -> (i32, i32, i32) {
    %c1_i32 = arith.constant 1 : i32
    %c0_i32 = arith.constant 0 : i32
    %c0_i32_0 = arith.constant 0 : i32
    return %c1_i32, %arg0, %c0_i32 : i32, i32, i32
  }
  func.func @transform_2(%arg0: i32) -> (i32, i32, i32) {
    %c0_i32 = arith.constant 0 : i32
    %c0_i32_0 = arith.constant 0 : i32
    %c0_i32_1 = arith.constant 0 : i32
    return %c0_i32, %arg0, %c0_i32_0 : i32, i32, i32
  }
  func.func @transform_3(%arg0: i32) -> (i32, i32, i32) {
    %c1_i32 = arith.constant 1 : i32
    %c0_i32 = arith.constant 0 : i32
    %c0_i32_0 = arith.constant 0 : i32
    return %c1_i32, %arg0, %c0_i32 : i32, i32, i32
  }
  func.func @transform_4(%arg0: i32) -> (i32, i32) {
    %c0_i32 = arith.constant 0 : i32
    %c0_i32_0 = arith.constant 0 : i32
    return %arg0, %c0_i32 : i32, i32
  }
  func.func @transform_5(%arg0: i32) -> (i32, i32) {
    %c0_i32 = arith.constant 0 : i32
    %c0_i32_0 = arith.constant 0 : i32
    return %arg0, %c0_i32 : i32, i32
  }
  func.func @transform_6(%arg0: i32) -> (i32, i32) {
    %c0_i32 = arith.constant 0 : i32
    %c0_i32_0 = arith.constant 0 : i32
    %c0_i32_1 = arith.constant 0 : i32
    return %c0_i32, %c0_i32_0 : i32, i32
  }
  func.func @transform_7(%arg0: i32) -> (i32, i32) {
    %c0_i32 = arith.constant 0 : i32
    %c0_i32_0 = arith.constant 0 : i32
    %c0_i32_1 = arith.constant 0 : i32
    return %c0_i32, %c0_i32_0 : i32, i32
  }
  func.func @transform_8(%arg0: i32) -> (i32, i32) {
    %c0_i32 = arith.constant 0 : i32
    %c0_i32_0 = arith.constant 0 : i32
    %c0_i32_1 = arith.constant 0 : i32
    return %c0_i32, %c0_i32_0 : i32, i32
  }
  func.func @transform_9(%arg0: i32) -> (i32, i32) {
    %c0_i32 = arith.constant 0 : i32
    %c0_i32_0 = arith.constant 0 : i32
    %c0_i32_1 = arith.constant 0 : i32
    return %c0_i32, %c0_i32_0 : i32, i32
  }
  func.func @transform_10(%arg0: i32) -> (i32, i32) {
    %c0_i32 = arith.constant 0 : i32
    %c0_i32_0 = arith.constant 0 : i32
    return %arg0, %c0_i32 : i32, i32
  }
  func.func @transform_11(%arg0: i32) -> (i32, i32) {
    %c0_i32 = arith.constant 0 : i32
    %c0_i32_0 = arith.constant 0 : i32
    return %arg0, %c0_i32 : i32, i32
  }
  func.func @transform_12(%arg0: i32) -> (i32, i32) {
    %c0_i32 = arith.constant 0 : i32
    %c0_i32_0 = arith.constant 0 : i32
    return %arg0, %c0_i32 : i32, i32
  }
}

module attributes {stable_mosaic.version = 14 : i64} {
  func.func @_t2_body(%arg0: i32, %arg1: memref<1x1000x128xf32, #tpu.memory_space<vmem>>, %arg2: memref<1x1000x128xf32, #tpu.memory_space<vmem>>, %arg3: memref<1000x128xf32, #tpu.memory_space<vmem>>, %arg4: memref<1000x8xf32, #tpu.memory_space<vmem>>, %arg5: memref<128x128xf32, #tpu.memory_space<vmem>>, %arg6: memref<1x128xf32, #tpu.memory_space<vmem>>, %arg7: memref<128x128xf32, #tpu.memory_space<vmem>>, %arg8: memref<1000x128xf32, #tpu.memory_space<vmem>>, %arg9: memref<1000x128xf32, #tpu.memory_space<vmem>>) attributes {dimension_semantics = [#tpu.dimension_semantics<arbitrary>], iteration_bounds = array<i64: 10>, scalar_prefetch = 0 : i64, scratch_operands = 0 : i64, tpu.core_type = #tpu.core_type<tc>, window_params = [{transform_indices = @transform_0, window_bounds = array<i64: 1, 1000, 128>}, {transform_indices = @transform_1, window_bounds = array<i64: 1, 1000, 128>}, {transform_indices = @transform_2, window_bounds = array<i64: 1000, 128>}, {transform_indices = @transform_3, window_bounds = array<i64: 1000, 8>}, {pipeline_mode = #tpu.pipeline_mode<synchronous>, transform_indices = @transform_4, window_bounds = array<i64: 128, 128>}, {pipeline_mode = #tpu.pipeline_mode<synchronous>, transform_indices = @transform_5, window_bounds = array<i64: 1, 128>}, {pipeline_mode = #tpu.pipeline_mode<synchronous>, transform_indices = @transform_6, window_bounds = array<i64: 128, 128>}, {transform_indices = @transform_7, window_bounds = array<i64: 1000, 128>}, {transform_indices = @transform_8, window_bounds = array<i64: 1000, 128>}]} {
    %get3A = arith.constant 0 : index
    %get3A_0 = arith.constant 0 : index
    %get3A_1 = vector.load %arg4[%get3A, %get3A_0] : memref<1000x8xf32, #tpu.memory_space<vmem>>, vector<1000x8xf32>
    %slice3A = vector.extract_strided_slice %get3A_1 {offsets = [0, 0], sizes = [1000, 1], strides = [1, 1]} : vector<1000x8xf32> to vector<1000x1xf32>
    %get3A_2 = arith.constant 0 : index
    %get3A_3 = arith.constant 0 : index
    %get3A_4 = arith.constant 0 : index
    %get3A_5 = vector.load %arg1[%get3A_2, %get3A_3, %get3A_4] : memref<1x1000x128xf32, #tpu.memory_space<vmem>>, vector<1x1000x128xf32>
    %get3A_6 = vector.shape_cast %get3A_5 : vector<1x1000x128xf32> to vector<1000x128xf32>
    %get3A_7 = arith.constant 0 : index
    %get3A_8 = arith.constant 0 : index
    %get3A_9 = arith.constant 0 : index
    %get3A_10 = vector.load %arg2[%get3A_7, %get3A_8, %get3A_9] : memref<1x1000x128xf32, #tpu.memory_space<vmem>>, vector<1x1000x128xf32>
    %get3A_11 = vector.shape_cast %get3A_10 : vector<1x1000x128xf32> to vector<1000x128xf32>
    %add3A = arith.addf %get3A_6, %get3A_11 : vector<1000x128xf32>
    %get3A_12 = arith.constant 0 : index
    %get3A_13 = arith.constant 0 : index
    %get3A_14 = vector.load %arg3[%get3A_12, %get3A_13] : memref<1000x128xf32, #tpu.memory_space<vmem>>, vector<1000x128xf32>
    %get3A_15 = arith.constant 0 : index
    %get3A_16 = arith.constant 0 : index
    %get3A_17 = vector.load %arg5[%get3A_15, %get3A_16] : memref<128x128xf32, #tpu.memory_space<vmem>>, vector<128x128xf32>
    %dot_general3A = arith.constant dense<0.000000e+00> : vector<1000x128xf32>
    %dot_general3A_18 = tpu.matmul %get3A_14, %get3A_17, %dot_general3A {dimension_numbers = #tpu.dot_dimension_numbers<[1], [0], [0], [1], [0, 0, 1, 1], [], []>, transpose_lhs_hint = false} : vector<1000x128xf32>, vector<128x128xf32>, vector<1000x128xf32> -> vector<1000x128xf32>
    %mul3A = vector.broadcast %slice3A : vector<1000x1xf32> to vector<1000x128xf32>
    %mul3A_19 = arith.mulf %add3A, %mul3A : vector<1000x128xf32>
    %add3A_20 = arith.addf %dot_general3A_18, %mul3A_19 : vector<1000x128xf32>
    %get3A_21 = arith.constant 0 : index
    %get3A_22 = arith.constant 0 : index
    %get3A_23 = vector.load %arg6[%get3A_21, %get3A_22] : memref<1x128xf32, #tpu.memory_space<vmem>>, vector<1x128xf32>
    %add3A_24 = vector.broadcast %get3A_23 : vector<1x128xf32> to vector<1000x128xf32>
    %add3A_25 = arith.addf %add3A_20, %add3A_24 : vector<1000x128xf32>
    %max3A = arith.constant 0.000000e+00 : f32
    %max3A_26 = vector.broadcast %max3A : f32 to vector<1000x128xf32>
    %max3A_27 = arith.maximumf %add3A_25, %max3A_26 : vector<1000x128xf32>
    %swap3A = arith.constant 0 : index
    %swap3A_28 = arith.constant 0 : index
    %swap3A_29 = vector.load %arg8[%swap3A, %swap3A_28] : memref<1000x128xf32, #tpu.memory_space<vmem>>, vector<1000x128xf32>
    tpu.vector_store %arg8[%swap3A, %swap3A_28], %max3A_27 {strides = array<i32>} : memref<1000x128xf32, #tpu.memory_space<vmem>>, vector<1000x128xf32>,
    %get3A_30 = arith.constant 0 : index
    %get3A_31 = arith.constant 0 : index
    %get3A_32 = vector.load %arg7[%get3A_30, %get3A_31] : memref<128x128xf32, #tpu.memory_space<vmem>>, vector<128x128xf32>
    %dot_general3A_33 = arith.constant dense<0.000000e+00> : vector<1000x128xf32>
    %dot_general3A_34 = tpu.matmul %max3A_27, %get3A_32, %dot_general3A_33 {dimension_numbers = #tpu.dot_dimension_numbers<[1], [0], [0], [1], [0, 0, 1, 1], [], []>, transpose_lhs_hint = false} : vector<1000x128xf32>, vector<128x128xf32>, vector<1000x128xf32> -> vector<1000x128xf32>
    %swap3A_35 = arith.constant 0 : index
    %swap3A_36 = arith.constant 0 : index
    %swap3A_37 = vector.load %arg9[%swap3A_35, %swap3A_36] : memref<1000x128xf32, #tpu.memory_space<vmem>>, vector<1000x128xf32>
    tpu.vector_store %arg9[%swap3A_35, %swap3A_36], %dot_general3A_34 {strides = array<i32>} : memref<1000x128xf32, #tpu.memory_space<vmem>>, vector<1000x128xf32>,
    return
  }
  func.func @transform_0(%arg0: i32) -> (i32, i32, i32) {
    %c0_i32 = arith.constant 0 : i32
    %c0_i32_0 = arith.constant 0 : i32
    %c0_i32_1 = arith.constant 0 : i32
    return %c0_i32, %arg0, %c0_i32_0 : i32, i32, i32
  }
  func.func @transform_1(%arg0: i32) -> (i32, i32, i32) {
    %c1_i32 = arith.constant 1 : i32
    %c0_i32 = arith.constant 0 : i32
    %c0_i32_0 = arith.constant 0 : i32
    return %c1_i32, %arg0, %c0_i32 : i32, i32, i32
  }
  func.func @transform_2(%arg0: i32) -> (i32, i32) {
    %c0_i32 = arith.constant 0 : i32
    %c0_i32_0 = arith.constant 0 : i32
    return %arg0, %c0_i32 : i32, i32
  }
  func.func @transform_3(%arg0: i32) -> (i32, i32) {
    %c0_i32 = arith.constant 0 : i32
    %c0_i32_0 = arith.constant 0 : i32
    return %arg0, %c0_i32 : i32, i32
  }
  func.func @transform_4(%arg0: i32) -> (i32, i32) {
    %c0_i32 = arith.constant 0 : i32
    %c0_i32_0 = arith.constant 0 : i32
    %c0_i32_1 = arith.constant 0 : i32
    return %c0_i32, %c0_i32_0 : i32, i32
  }
  func.func @transform_5(%arg0: i32) -> (i32, i32) {
    %c0_i32 = arith.constant 0 : i32
    %c0_i32_0 = arith.constant 0 : i32
    %c0_i32_1 = arith.constant 0 : i32
    return %c0_i32, %c0_i32_0 : i32, i32
  }
  func.func @transform_6(%arg0: i32) -> (i32, i32) {
    %c0_i32 = arith.constant 0 : i32
    %c0_i32_0 = arith.constant 0 : i32
    %c0_i32_1 = arith.constant 0 : i32
    return %c0_i32, %c0_i32_0 : i32, i32
  }
  func.func @transform_7(%arg0: i32) -> (i32, i32) {
    %c0_i32 = arith.constant 0 : i32
    %c0_i32_0 = arith.constant 0 : i32
    return %arg0, %c0_i32 : i32, i32
  }
  func.func @transform_8(%arg0: i32) -> (i32, i32) {
    %c0_i32 = arith.constant 0 : i32
    %c0_i32_0 = arith.constant 0 : i32
    return %arg0, %c0_i32 : i32, i32
  }
}

module attributes {stable_mosaic.version = 14 : i64} {
  func.func @_t3_body(%arg0: i32, %arg1: memref<1x1000x128xf32, #tpu.memory_space<vmem>>, %arg2: memref<1x1000x128xf32, #tpu.memory_space<vmem>>, %arg3: memref<1000x128xf32, #tpu.memory_space<vmem>>, %arg4: memref<1000x8xf32, #tpu.memory_space<vmem>>, %arg5: memref<128x128xf32, #tpu.memory_space<vmem>>, %arg6: memref<1x128xf32, #tpu.memory_space<vmem>>, %arg7: memref<1000x128xf32, #tpu.memory_space<vmem>>) attributes {dimension_semantics = [#tpu.dimension_semantics<arbitrary>], iteration_bounds = array<i64: 10>, scalar_prefetch = 0 : i64, scratch_operands = 0 : i64, tpu.core_type = #tpu.core_type<tc>, window_params = [{transform_indices = @transform_0, window_bounds = array<i64: 1, 1000, 128>}, {transform_indices = @transform_1, window_bounds = array<i64: 1, 1000, 128>}, {transform_indices = @transform_2, window_bounds = array<i64: 1000, 128>}, {transform_indices = @transform_3, window_bounds = array<i64: 1000, 8>}, {pipeline_mode = #tpu.pipeline_mode<synchronous>, transform_indices = @transform_4, window_bounds = array<i64: 128, 128>}, {pipeline_mode = #tpu.pipeline_mode<synchronous>, transform_indices = @transform_5, window_bounds = array<i64: 1, 128>}, {transform_indices = @transform_6, window_bounds = array<i64: 1000, 128>}]} {
    %get3A = arith.constant 0 : index
    %get3A_0 = arith.constant 0 : index
    %get3A_1 = vector.load %arg4[%get3A, %get3A_0] : memref<1000x8xf32, #tpu.memory_space<vmem>>, vector<1000x8xf32>
    %slice3A = vector.extract_strided_slice %get3A_1 {offsets = [0, 0], sizes = [1000, 1], strides = [1, 1]} : vector<1000x8xf32> to vector<1000x1xf32>
    %get3A_2 = arith.constant 0 : index
    %get3A_3 = arith.constant 0 : index
    %get3A_4 = arith.constant 0 : index
    %get3A_5 = vector.load %arg1[%get3A_2, %get3A_3, %get3A_4] : memref<1x1000x128xf32, #tpu.memory_space<vmem>>, vector<1x1000x128xf32>
    %get3A_6 = vector.shape_cast %get3A_5 : vector<1x1000x128xf32> to vector<1000x128xf32>
    %get3A_7 = arith.constant 0 : index
    %get3A_8 = arith.constant 0 : index
    %get3A_9 = arith.constant 0 : index
    %get3A_10 = vector.load %arg2[%get3A_7, %get3A_8, %get3A_9] : memref<1x1000x128xf32, #tpu.memory_space<vmem>>, vector<1x1000x128xf32>
    %get3A_11 = vector.shape_cast %get3A_10 : vector<1x1000x128xf32> to vector<1000x128xf32>
    %add3A = arith.addf %get3A_6, %get3A_11 : vector<1000x128xf32>
    %get3A_12 = arith.constant 0 : index
    %get3A_13 = arith.constant 0 : index
    %get3A_14 = vector.load %arg3[%get3A_12, %get3A_13] : memref<1000x128xf32, #tpu.memory_space<vmem>>, vector<1000x128xf32>
    %get3A_15 = arith.constant 0 : index
    %get3A_16 = arith.constant 0 : index
    %get3A_17 = vector.load %arg5[%get3A_15, %get3A_16] : memref<128x128xf32, #tpu.memory_space<vmem>>, vector<128x128xf32>
    %dot_general3A = arith.constant dense<0.000000e+00> : vector<1000x128xf32>
    %dot_general3A_18 = tpu.matmul %get3A_14, %get3A_17, %dot_general3A {dimension_numbers = #tpu.dot_dimension_numbers<[1], [0], [0], [1], [0, 0, 1, 1], [], []>, transpose_lhs_hint = false} : vector<1000x128xf32>, vector<128x128xf32>, vector<1000x128xf32> -> vector<1000x128xf32>
    %mul3A = vector.broadcast %slice3A : vector<1000x1xf32> to vector<1000x128xf32>
    %mul3A_19 = arith.mulf %add3A, %mul3A : vector<1000x128xf32>
    %add3A_20 = arith.addf %dot_general3A_18, %mul3A_19 : vector<1000x128xf32>
    %get3A_21 = arith.constant 0 : index
    %get3A_22 = arith.constant 0 : index
    %get3A_23 = vector.load %arg6[%get3A_21, %get3A_22] : memref<1x128xf32, #tpu.memory_space<vmem>>, vector<1x128xf32>
    %add3A_24 = vector.broadcast %get3A_23 : vector<1x128xf32> to vector<1000x128xf32>
    %add3A_25 = arith.addf %add3A_20, %add3A_24 : vector<1000x128xf32>
    %swap3A = arith.constant 0 : index
    %swap3A_26 = arith.constant 0 : index
    %swap3A_27 = vector.load %arg7[%swap3A, %swap3A_26] : memref<1000x128xf32, #tpu.memory_space<vmem>>, vector<1000x128xf32>
    tpu.vector_store %arg7[%swap3A, %swap3A_26], %add3A_25 {strides = array<i32>} : memref<1000x128xf32, #tpu.memory_space<vmem>>, vector<1000x128xf32>,
    return
  }
  func.func @transform_0(%arg0: i32) -> (i32, i32, i32) {
    %c0_i32 = arith.constant 0 : i32
    %c0_i32_0 = arith.constant 0 : i32
    %c0_i32_1 = arith.constant 0 : i32
    return %c0_i32, %arg0, %c0_i32_0 : i32, i32, i32
  }
  func.func @transform_1(%arg0: i32) -> (i32, i32, i32) {
    %c1_i32 = arith.constant 1 : i32
    %c0_i32 = arith.constant 0 : i32
    %c0_i32_0 = arith.constant 0 : i32
    return %c1_i32, %arg0, %c0_i32 : i32, i32, i32
  }
  func.func @transform_2(%arg0: i32) -> (i32, i32) {
    %c0_i32 = arith.constant 0 : i32
    %c0_i32_0 = arith.constant 0 : i32
    return %arg0, %c0_i32 : i32, i32
  }
  func.func @transform_3(%arg0: i32) -> (i32, i32) {
    %c0_i32 = arith.constant 0 : i32
    %c0_i32_0 = arith.constant 0 : i32
    return %arg0, %c0_i32 : i32, i32
  }
  func.func @transform_4(%arg0: i32) -> (i32, i32) {
    %c0_i32 = arith.constant 0 : i32
    %c0_i32_0 = arith.constant 0 : i32
    %c0_i32_1 = arith.constant 0 : i32
    return %c0_i32, %c0_i32_0 : i32, i32
  }
  func.func @transform_5(%arg0: i32) -> (i32, i32) {
    %c0_i32 = arith.constant 0 : i32
    %c0_i32_0 = arith.constant 0 : i32
    %c0_i32_1 = arith.constant 0 : i32
    return %c0_i32, %c0_i32_0 : i32, i32
  }
  func.func @transform_6(%arg0: i32) -> (i32, i32) {
    %c0_i32 = arith.constant 0 : i32
    %c0_i32_0 = arith.constant 0 : i32
    return %arg0, %c0_i32 : i32, i32
  }
}

</mosaic_0001>

<sc_bundles>
// kernel: _impl.10.cloned.1.call-start
scs
__scs_entry_jumppad:
0x0: {  	(pc) =	sbr.rel $0x88, $3  }
0x1: {  	(tag) =	ssettag $0x0;
	lr =	simm.s32 $0x1  }
0x2: {  	[smem:$0x3F95] =	sst lr;
	_ =	strace $0xD0000000  }
0x3: {  	_ = 	snop  }
0x4: {  	_ = 	snop  }
0x5: {  	_ = 	snop  }
0x6: {  	_ = 	snop  }
0x7: {  	_ = 	snop  }
__scs_overlays_trampoline_lowered:
0x8: {  	[smem:$0x3FA4] =	sst s0  }
0x9: {  	[smem:$0x3FA5] =	sst s1  }
0xa: {  	[smem:$0x3FA6] =	sst s2  }
0xb: {  	[smem:$0x3FA7] =	sst s3  }
0xc: {  	[smem:$0x3FA8] =	sst s4  }
0xd: {  	[smem:$0x3FA9] =	sst s5  }
0xe: {  	[smem:$0x3FAA] =	sst s6  }
0xf: {  	[smem:$0x3FAB] =	sst s7  }
0x10: {  	[smem:$0x3FAC] =	sst s8  }
0x11: {  	[smem:$0x3FAD] =	sst s9;
	s0 =	simm.s32 @!p0 $0x0  }
0x12: {  	s1 =	sld [smem:$0x3F93];
	s0 =	simm.s32 @p0 $0x1  }
0x13: {  	[smem:$0x3FAE] =	sst s0;
	s0 =	simm.s32 @!p1 $0x0  }
0x14: {  	s2 =	sld [smem:$0x3F92];
	s0 =	simm.s32 @p1 $0x1  }
0x15: {  	[smem:$0x3FAF] =	sst s0;
	s0 =	simm.s32 @!p2 $0x0  }
0x16: {  	s3 =	sld [smem:$0x3FDB];
	s0 =	simm.s32 @p2 $0x1  }
0x17: {  	s4 =	simm.s32 $0x1BF5;
	[smem:$0x3FB1] =	sst s0  }
0x18: {  	s0 =	sld [smem:$0x3F94];
	_ =	swait.ge [sflag:s4], $0x0  }
0x19: {  	s7 =	sld [smem:$0x3F95]  }
0x1a: {  	s8 =	sadd.s32 $0xFFFFE003, lr  }
0x1b: {  	s9 =	sadd.s32 $0xFFFFFEF7, lr;
	s5 =	simm.s32 $0xFFFFFFFF;
	p2 =	slt.u32 s8, $0xFFFFF086  }
0x1c: {  	p1 =	slt.u32 s9, $0xF7A;
	s5 =	simm.s32 @!p2 $0x0  }
0x1d: {  	s5 =	simm.s32 @p1 $0x1;
	p0 =	seq.s32 s7, s2  }
0x1e: {  	s7 =	smul.u32 @!p0 $0xF7A, s2;
	p2 =	seq.s32 @!p0 s5, $0x0  }
0x1f: {  	s9 =	smul.u32 $0xF7A, s1;
	s8 =	simm.s32 @!p0 $0x1BF5;
	p2 =	por !p2, p0  }
0x20: {  	[sflag:s8] =	ssyncset.s32 @!p0 $0xFFFFF086;
	s6 =	sadd.s32 @!p0 s3, s7;
	s7 =	simm.s32 @!p0 $0x108  }
0x21: {  	s3 =	sadd.s32 s3, s9;
	s6 =	sadd.s32 @!p0 $0x88, s6;
	s7 =	simm.s32 @p2 $0x1082  }
0x22: {  	[simem:s7], [sflag:s8] =	dma.local @!p0 [hbm:s6], $0xF7A  }
0x23: {  	s9 =	sor.u32 $0xD0000000, s2;
	s6 =	simm.s32 $0x108;
	_ =	swait.ge @!p0 [sflag:s8], $0x0  }
0x24: {  	s3 =	sadd.s32 $0x88, s3;
	s6 =	simm.s32 @!p1 $0x1082;
	[sflag:s4] =	ssyncset.s32 $0xFFFFF086  }
0x25: {  	[simem:s6], [sflag:s4] =	dma.local [hbm:s3], $0xF7A  }
0x26: {  	[smem:$0x3F95] =	sst s1;
	(tag) =	ssettag s2;
	_ =	strace s9  }
0x27: {  	s1 =	sld [smem:$0x3FA5]  }
0x28: {  	s2 =	sld [smem:$0x3FA6]  }
0x29: {  	s4 =	sld [smem:$0x3FA8]  }
0x2a: {  	p0 =	seq.s32 s5, $0x0;
	s5 =	sld [smem:$0x3FA9]  }
0x2b: {  	s6 =	sld [smem:$0x3FAA]  }
0x2c: {  	s7 =	sld [smem:$0x3FAB]  }
0x2d: {  	s3 =	simm.s32 $0x108;
	s8 =	sld [smem:$0x3FAC]  }
0x2e: {  	s3 =	simm.s32 @!p0 $0x1082;
	s9 =	sld [smem:$0x3FAD]  }
0x2f: {  	lr =	sadd.s32 s0, s3;
	s0 =	sld [smem:$0x3FA4]  }
0x30: {  	s3 =	sld [smem:$0x3FA7]  }
0x31: {  	[smem:$0x3FB0] =	sst s10  }
0x32: {  	s10 =	sld [smem:$0x3FAE];
	_ =	sdelay $0x3  }
0x33: {  	p0 =	seq.s32 s10, $0x1;
	s10 =	sld [smem:$0x3FB0];
	_ =	sdelay $0x3  }
0x34: {  	[smem:$0x3FB0] =	sst s10  }
0x35: {  	s10 =	sld [smem:$0x3FAF];
	_ =	sdelay $0x3  }
0x36: {  	p1 =	seq.s32 s10, $0x1;
	s10 =	sld [smem:$0x3FB0];
	_ =	sdelay $0x3  }
0x37: {  	[smem:$0x3FB0] =	sst s10  }
0x38: {  	s10 =	sld [smem:$0x3FB1]  }
0x39: {  	_ = 	snop;
	(pc) =	sbr.ind lr, $3  }
0x3a: {  	_ = 	snop  }
0x3b: {  	_ = 	snop  }
0x3c: {  	p2 =	seq.s32 s10, $0x1;
	s10 =	sld [smem:$0x3FB0]  }
0x3d: {  	_ =	shalt  }
0x3e: {  	_ =	shalt  }
0x3f: {  	_ =	shalt  }
0x40: {  	_ =	shalt  }
0x41: {  	_ =	shalt  }
0x42: {  	_ =	shalt  }
0x43: {  	_ =	shalt  }
0x44: {  	_ =	shalt  }
0x45: {  	_ =	shalt  }
0x46: {  	_ =	shalt  }
0x47: {  	_ =	shalt  }
0x48: {  	_ =	shalt  }
0x49: {  	_ =	shalt  }
0x4a: {  	_ =	shalt  }
0x4b: {  	_ =	shalt  }
0x4c: {  	_ =	shalt  }
0x4d: {  	_ =	shalt  }
0x4e: {  	_ =	shalt  }
0x4f: {  	_ =	shalt  }
0x50: {  	_ =	shalt  }
0x51: {  	_ =	shalt  }
0x52: {  	_ =	shalt  }
0x53: {  	_ =	shalt  }
0x54: {  	_ =	shalt  }
0x55: {  	_ =	shalt  }
0x56: {  	_ =	shalt  }
0x57: {  	_ =	shalt  }
0x58: {  	_ =	shalt  }
0x59: {  	_ =	shalt  }
0x5a: {  	_ =	shalt  }
0x5b: {  	_ =	shalt  }
0x5c: {  	_ =	shalt  }
0x5d: {  	_ =	shalt  }
0x5e: {  	_ =	shalt  }
0x5f: {  	_ =	shalt  }
0x60: {  	_ =	shalt  }
0x61: {  	_ =	shalt  }
0x62: {  	_ =	shalt  }
0x63: {  	_ =	shalt  }
0x64: {  	_ =	shalt  }
0x65: {  	_ =	shalt  }
0x66: {  	_ =	shalt  }
0x67: {  	_ =	shalt  }
0x68: {  	_ =	shalt  }
0x69: {  	_ =	shalt  }
0x6a: {  	_ =	shalt  }
0x6b: {  	_ =	shalt  }
0x6c: {  	_ =	shalt  }
0x6d: {  	_ =	shalt  }
0x6e: {  	_ =	shalt  }
0x6f: {  	_ =	shalt  }
0x70: {  	_ =	shalt  }
0x71: {  	_ =	shalt  }
0x72: {  	_ =	shalt  }
0x73: {  	_ =	shalt  }
0x74: {  	_ =	shalt  }
0x75: {  	_ =	shalt  }
0x76: {  	_ =	shalt  }
0x77: {  	_ =	shalt  }
0x78: {  	_ =	shalt  }
0x79: {  	_ =	shalt  }
0x7a: {  	_ =	shalt  }
0x7b: {  	_ =	shalt  }
0x7c: {  	_ =	shalt  }
0x7d: {  	_ =	shalt  }
0x7e: {  	_ =	shalt  }
0x7f: {  	_ =	shalt  }
0x80: {  	_ =	shalt  }
0x81: {  	_ =	shalt  }
0x82: {  	_ =	shalt  }
0x83: {  	_ =	shalt  }
0x84: {  	_ =	shalt  }
0x85: {  	_ =	shalt  }
0x86: {  	_ =	shalt  }
0x87: {  	_ =	shalt  }
.Lfunc_end0:
.L_simem_size_0:
called_computation_lowered:
.L_overlay_start_0:
0x88: {  	s2 =	sld [smem:$0x3FD9]  }
0x89: {  	s3 =	sld [smem:$0x3FFE];
	_ =	sdelay $0x1  }
0x8a: {  	s1 =	srdreg.scid  }
0x8b: {  	s0 =	sand.u32 $0x1, s1  }
0x8c: {  	s17 =	sshll.u32 s0, $0xA;
	s2 =	sadd.s32 s3, s2  }
0x8d: {  	s2 =	sadd.s32 s2, s17  }
0x8e: {  	[smem:$0x3FBC] =	sst s2  }
0x8f: {  	_ = 	snop  }
0x90: {  	(tm) =	ssettm $0x1  }
0x91: {  	s18 =	sld [smem:$0x3FFB];
	_ =	sdelay $0x3  }
0x92: {  	_ =	strace s18  }
0x93: {  	s2 =	sld [smem:$0x3FFC];
	_ =	sdelay $0x3  }
0x94: {  	_ =	strace s2  }
0x95: {  	s2 =	sld [smem:$0x3FFD];
	_ =	sdelay $0x3  }
0x96: {  	_ =	strace s2  }
0x97: {  	_ =	strace $0x8FFFFFFF  }
0x98: {  	s19 =	sld [smem:$0x3FDB];
	_ =	sdelay $0x1  }
0x99: {  	s20 =	simm.s32 $_scs_section_size  }
0x9a: {  	s4 =	simm.s32 $_size__tile_overlayer_lowered;
	s5 =	simm.s32 $_tile_overlayer_lowered  }
0x9b: {  	s6 =	simm.s32 $0x1BFF;
	s21 =	sshll.u32 s5, $0x1;
	s3 =	sadd.s32 s20, s19  }
0x9c: {  	s22 =	simm.s32 $0x0;
	s4 =	sshll.u32 s4, $0x1;
	s5 =	sadd.s32 s21, s3  }
0x9d: {  	[timem:s22], [sflag:s6] =	dma.local [hbm:s5], s4  }
0x9e: {  	_ =	swait.ge [sflag:s6], s4  }
0x9f: {  	s4 =	ssub.s32 $0x0, s4;
	[sflag:s6] =	ssyncset.done $0x0  }
0xa0: {  	[sflag:s6] =	ssyncadd.s32 s4;
	_ =	sdelay $0x1  }
0xa1: {  	s23 =	simm.s32 $0x1B8B  }
0xa2: {  	_ =	swait.ge [sflag:s23], $0x1  }
0xa3: {  	[sflag:s23] =	ssyncset.done $0x0  }
0xa4: {  	[sflag:s23] =	ssyncadd.s32 $0xFFFFFFFF  }
0xa5: {  	s4 =	sld [smem:$0x0]  }
0xa6: {  	s5 =	sand.u32 $0xFFFFFFFE, s1  }
0xa7: {  	p0 =	sne.s32 s1, s5  }
0xa8: {  	s5 =	sshll.u32 @p0 s5, $0xE  }
0xa9: {  	s5 =	sadd.s32 @p0 $0x11B8D, s5;
	s6 =	sshll.u32 @p0 s4, $0x11  }
0xaa: {  	s5 =	sor.u32 @p0 s6, s5  }
0xab: {  	[sflag:s5] =	ssyncadd.remote.s32 @p0 $0x1;
	_ =	sdelay $0x1  }
0xac: {  	s5 =	simm.s32 @p0 $0x1B8D  }
0xad: {  	_ =	swait.eq @p0 [sflag:s5], $0x1  }
0xae: {  	[sflag:s5] =	ssyncadd.s32 @p0 $0xFFFFFFFF  }
0xaf: {  	s6 =	sshll.u32 @!p0 s1, $0xE  }
0xb0: {  	s6 =	sor.u32 @!p0 $0x4000, s6;
	s5 =	simm.s32 @!p0 $0x1B8D  }
0xb1: {  	s4 =	sshll.u32 @!p0 s4, $0x11;
	s6 =	sadd.s32 @!p0 $0x11B8D, s6;
	_ =	swait.eq @!p0 [sflag:s5], $0x1  }
0xb2: {  	s4 =	sor.u32 @!p0 s4, s6;
	[sflag:s5] =	ssyncadd.s32 @!p0 $0xFFFFFFFF  }
0xb3: {  	s25 =	simm.s32 $0x1B8E;
	s24 =	sld [smem:$0x3FFE];
	[sflag:s4] =	ssyncadd.remote.s32 @!p0 $0x1  }
0xb4: {  	s26 =	simm.s32 $execute0_lowered;
	[smem:$0x3FD2] =	sst s25  }
0xb5: {  	s5 =	sshll.u32 s26, $0x1;
	_ =	strace $0x80000049;
	[dreg:$0x1] =	wrdreg $0xFFFFFFFF  }
0xb6: {  	s28 =	simm.s32 $_size_execute0_lowered;
	s3 =	sadd.s32 s3, s5;
	[dreg:$0x0] =	wrdreg $0x0  }
0xb7: {  	s5 =	sshll.u32 s28, $0x1;
	[dreg:$0x2] =	wrdreg s3  }
0xb8: {  	[dreg:$0x3] =	wrdreg s5  }
0xb9: {  	[dreg:$0x4] =	wrdreg $0xC0  }
0xba: {  	_ =	task [dreg:s22], $0x5FFFF  }
0xbb: {  	[dreg:$0x1] =	wrdreg $0xFFFFFFFF  }
0xbc: {  	[dreg:$0x0] =	wrdreg $0x60  }
0xbd: {  	[dreg:$0x2] =	wrdreg s24  }
0xbe: {  	[dreg:$0x3] =	wrdreg $0x6C000  }
0xbf: {  	[dreg:$0x4] =	wrdreg $0x9  }
0xc0: {  	_ =	task.clear_ibuf [dreg:s22], $0x5FFFF;
	_ =	strace $0x90000049  }
0xc1: {  	s29 =	simm.s32 $0x9;
	_ =	strace $0x8000004B  }
0xc2: {  	_ =	swait.ge [sflag:s29], $0x1  }
0xc3: {  	[sflag:s29] =	ssyncadd.s32 $0xFFFFFFFF  }
0xc4: {  	_ =	strace $0x9000004B  }
0xc5: {  	_ =	sfence  }
0xc6: {  	s30 =	sld [smem:$0x0];
	_ =	sdelay $0x2  }
0xc7: {  	s31 =	sshll.u32 s1, $0xD;
	s1 =	sshrl.u32 s1, $0x2  }
0xc8: {  	s4 =	sand.u32 $0x4000, s31;
	s1 =	sadd.s32 s1, s30  }
0xc9: {  	s0 =	sor.u32 s4, s0;
	s1 =	sshll.u32 s1, $0x11  }
0xca: {  	s0 =	sor.u32 s1, s0  }
0xcb: {  	s0 =	sadd.s32 $0x8F2B, s0  }
0xcc: {  	[sflag:s0] =	ssyncadd.remote.s32 $0x1  }
0xcd: {  	_ =	sfence.sel $0xFFFF  }
0xce: {  	[dreg:$0x0] =	wrdreg $0xFFFFFFFF;
	(pc) =	sbr.abs _section_cstart, $3  }
0xcf: {  	[dreg:$0x1] =	wrdreg $0xFFFFFFFF  }
0xd0: {  	_ =	task.clear_ibuf [dreg:s22], $0x2FFFF;
	_ =	strace $0x9FFFFFFF  }
0xd1: {  	(tm) =	ssettm $0x7FFFFFFF  }
tec
execute0_lowered:
.L_overlay_start_1:
0x0: {  	(tag) =	ssettag $0x1  }
0x1: {  	s6 =	rddreg [dreg:$0x0];
	s0 =	srdreg.scid  }
0x2: {  	s2 =	rddreg [dreg:$0x1];
	s1 =	stileid.u32;
	s3 =	simm.s32 $0x0  }
0x3: {  	s12 =	simm.s32 $0x4000;
	s13 =	simm.s32 $0x50;
	s14 =	simm.s32 $0x80  }
0x4: {  	s15 =	simm.s32 $0x100;
	s16 =	simm.s32 $0x180;
	s17 =	simm.s32 $0x1  }
0x5: {  	s7 =	sand.u32 $0x1, s0;
	s0 =	rddreg [dreg:$0x2];
	s5 =	smul.u32 $0x14000, s1  }
0x6: {  	s20 =	simm.s32 $0x0;
	[smem:$0x7FF] =	sst s3;
	s11 =	smul.u32 $0x50000, s1  }
0x7: {  	s10 =	sshll.u32 s1, $0xC;
	s18 =	sshll.u32 s1, $0x6;
	s4 =	smul.u32 $0x140000, s7  }
0x8: {  	s8 =	sshll.u32 s7, $0xB;
	_ =	strace $0x8000004A;
	s7 =	ssub.s32 $0x2, s7  }
0x9: {  	s18 =	sor.u32 $0x1C02, s18;
	s8 =	sadd.s32 s8, s6;
	s29 =	sshrl.u32 s7, $0x1  }
0xa: {  	s31 =	sshrl.u32 s11, $0x2;
	s11 =	simm.s32 $0x6800;
	s9 =	sadd.s32 s5, s4  }
0xb: {  	s4 =	sadd.s32 $0x8A000, s6;
	s5 =	sadd.s32 $0x39E00, s6;
	s8 =	sadd.s32 s10, s8  }
0xc: {  	s30 =	ssub.s32 s7, s29;
	s7 =	sadd.s32 s31, s2;
	s9 =	sshrl.u32 s9, $0x3  }
0xd: {  	s10 =	simm.s32 $0x2;
	s19 =	sshrl.u32 s7, $0x3;
	s9 =	sadd.s32 s9, s6  }
0xe: {  	s6 =	sadd.s32 $0x2C00, s8;
	s8 =	sadd.s32 $0x8A600, s9;
	s9 =	smax.u32 s30, $0x1  }
.LBB2_1:
0xf: {  	[tilespmem:s3], [sflag:$0x2] =	stream.linear.gather [hbm4b:s6+s3], $0x3E80, $0x38;
	[tilespmem:$0x1AC00] =	vst v63  }
0x10: {  	_ =	swait.ge [sflag:s10], $0x3E80  }
0x11: {  	[sflag:s10] =	ssyncset.done $0x0  }
0x12: {  	[sflag:s10] =	ssyncadd.s32 $0xFFFFC180  }
0x13: {  	[tilespmem:s11], [sflag:$0x2] =	stream.linear.gather [hbm4b:s5+s3], $0x400, $0x38;
	[tilespmem:$0x1AC00] =	vst v63  }
0x14: {  	_ =	swait.ge [sflag:s10], $0x400  }
0x15: {  	[sflag:s10] =	ssyncset.done $0x0  }
0x16: {  	[sflag:s10] =	ssyncadd.s32 $0xFFFFFC00  }
0x17: {  	[tilespmem:s12], [sflag:$0x2] =	stream.linear.gather [hbm4b:s4+s3], $0x2800, $0x38;
	[tilespmem:$0x1AC00] =	vst v63  }
0x18: {  	_ =	swait.ge [sflag:s10], $0x2800  }
0x19: {  	[sflag:s10] =	ssyncset.done $0x0  }
0x1a: {  	s21 =	sadd.s32 $0x0, s7;
	[sflag:s10] =	ssyncadd.s32 $0xFFFFD800  }
0x1b: {  	[spmem:s21] =	stream.linear.scatter [tilespmem:s11], [sflag:$0x2], $0x400, $0x38;
	[tilespmem:$0x1AC00] =	vst v63  }
0x1c: {  	s21 =	simm.s32 $0x1000;
	_ =	swait.ge [sflag:s10], $0x400  }
.LBB2_2:
0x1d: {  	s22 =	sshra.s32 s21, $0x2;
	[sflag:s10] =	ssyncset.done $0x0;
	p0 =	sne.s32 s21, $0x4F000  }
.Ltmp0:
0x1e: {  	s22 =	sadd.s32 s22, s7;
	[sflag:s10] =	ssyncadd.s32 $0xFFFFFC00;
	(pc) =	sbr.rel @p0 .LBB2_2-.Ltmp0, $3  }
0x1f: {  	[spmem:s22] =	stream.linear.scatter [tilespmem:s11], [sflag:$0x2], $0x400, $0x38;
	[tilespmem:$0x1AC00] =	vst v63  }
0x20: {  	s21 =	sadd.s32 $0x1000, s21;
	_ =	sdelay $0x1  }
0x21: {  	_ =	swait.ge [sflag:s10], $0x400  }
0x22: {  	[sflag:s10] =	ssyncset.done $0x0  }
0x23: {  	[sflag:s10] =	ssyncadd.s32 $0xFFFFFC00  }
0x24: {  	[bflag:$0x0] =	sbarrier.arrive $0xFFFF  }
0x25: {  	[spmem:s2] =	stream.indirect.scatter.add.f32 [tilespmem:s12], [sflag:$0x1], $0x80, s3, s13, $0xb8;
	[tilespmem:$0x1AC00] =	vst v63  }
0x26: {  	_ = 	snop  }
0x27: {  	[spmem:s2] =	stream.indirect.scatter.add.f32 [tilespmem:s12], [sflag:$0x1], $0x80, s14, s13, $0xb8;
	[tilespmem:$0x1AC00] =	vst v63  }
0x28: {  	_ = 	snop  }
0x29: {  	[spmem:s2] =	stream.indirect.scatter.add.f32 [tilespmem:s12], [sflag:$0x1], $0x80, s15, s13, $0xb8;
	[tilespmem:$0x1AC00] =	vst v63  }
0x2a: {  	_ = 	snop  }
0x2b: {  	[spmem:s2] =	stream.indirect.scatter.add.f32 [tilespmem:s12], [sflag:$0x1], $0x80, s16, s13, $0xb8;
	[tilespmem:$0x1AC00] =	vst v63  }
0x2c: {  	s21 =	simm.s32 $0x200  }
0x2d: {  	[spmem:s2] =	stream.indirect.scatter.add.f32 [tilespmem:s12], [sflag:$0x1], $0x80, s21, s13, $0xb8;
	[tilespmem:$0x1AC00] =	vst v63  }
0x2e: {  	_ =	swait.ge [sflag:s17], $0x2800  }
0x2f: {  	s21 =	simm.s32 $0xA00;
	[sflag:s17] =	ssyncset.done $0x0  }
.LBB2_4:
0x30: {  	s22 =	sshra.s32 s21, $0x2;
	[sflag:s17] =	ssyncadd.s32 $0xFFFFD800;
	p0 =	sne.s32 s21, $0xF800  }
0x31: {  	[spmem:s2] =	stream.indirect.scatter.add.f32 [tilespmem:s12], [sflag:$0x1], $0x80, s22, s13, $0xb8;
	[tilespmem:$0x1AC00] =	vst v63  }
.Ltmp1:
0x32: {  	_ = 	snop;
	(pc) =	sbr.rel @p0 .LBB2_4-.Ltmp1, $4  }
0x33: {  	_ = 	snop  }
0x34: {  	s21 =	sadd.s32 $0x200, s21  }
0x35: {  	_ =	swait.ge [sflag:s17], $0x2800  }
0x36: {  	[sflag:s17] =	ssyncset.done $0x0  }
0x37: {  	[sflag:s17] =	ssyncadd.s32 $0xFFFFD800  }
0x38: {  	_ =	swait.ge [sflag:s17], $0x2800  }
0x39: {  	[sflag:s17] =	ssyncset.done $0x0  }
0x3a: {  	[sflag:s17] =	ssyncadd.s32 $0xFFFFD800  }
0x3b: {  	_ =	swait.ge [sflag:s17], $0x2800  }
0x3c: {  	[sflag:s17] =	ssyncset.done $0x0  }
0x3d: {  	[sflag:s17] =	ssyncadd.s32 $0xFFFFD800  }
0x3e: {  	_ =	swait.ge [sflag:s17], $0x2800  }
0x3f: {  	[sflag:s17] =	ssyncset.done $0x0  }
0x40: {  	[sflag:s17] =	ssyncadd.s32 $0xFFFFD800  }
0x41: {  	_ =	swait.ge [sflag:s17], $0x2800  }
0x42: {  	s20 =	sadd.s32 $0x1, s20;
	[sflag:s17] =	ssyncset.done $0x0  }
0x43: {  	p0 =	sne.s32 s20, s9;
	[sflag:s17] =	ssyncadd.s32 $0xFFFFD800  }
.Ltmp2:
0x44: {  	[bflag:$0x0] =	sbarrier.arrive $0xFFFF;
	(pc) =	sbr.rel @p0 .LBB2_1-.Ltmp2, $4  }
0x45: {  	[hbm:s8], [sflag:s18] =	dma.local [spmem:s19], $0x2800  }
0x46: {  	_ =	swait.ge [sflag:s10], $0x2800  }
0x47: {  	[sflag:s10] =	ssyncset.done $0x0  }
0x48: {  	[sflag:s10] =	ssyncadd.s32 $0xFFFFD800  }
0x49: {  	_ =	sfence.sel $0x180000  }
0x4a: {  	[bflag:$0x0] =	sbarrier.arrive $0xFFFF  }
0x4b: {  	p0 =	sne.s32 s1, $0x0;
	_ =	strace $0x9000004A  }
0x4c: {  	s0 =	sadd.s32 @!p0 $0x100000, s0;
	[bflag:$0x2] =	sbarrier.arrive $0xFFFF  }
0x4d: {  	[sflag:s0] =	ssyncadd.tile.s32 @!p0 $0x1;
	_ =	shalt  }
.Lfunc_end2:
_tile_overlayer_lowered:
.L_overlay_start_2:
0x4e: {  	(tag) =	ssettag $0x2  }
0x4f: {  	s0 =	rddreg [dreg:$0x0];
	s2 =	stileid.u32  }
0x50: {  	s1 =	rddreg [dreg:$0x1];
	p0 =	sne.s32 s2, $0x0  }
0x51: {  	s3 =	rddreg [dreg:$0x2];
	[bflag:$0x3] =	sbarrier.arrive $0xFFFF;
	s2 =	simm.s32 @!p0 $0x1C02  }
0x52: {  	[timem:s3], [sflag:s2] =	dma.local @!p0 [hbm:s0], s1  }
0x53: {  	s0 =	simm.s32 @!p0 $0x2  }
0x54: {  	_ =	swait.ge @!p0 [sflag:s0], s1  }
0x55: {  	s1 =	ssub.s32 @!p0 $0x0, s1;
	[sflag:s0] =	ssyncset.done @!p0 $0x0  }
0x56: {  	[sflag:s0] =	ssyncadd.s32 @!p0 s1  }
0x57: {  	[bflag:$0x3] =	sbarrier.arrive $0xFFFF  }
0x58: {  	_ =	shalt  }

// kernel: _impl.13.cloned.1.call-start
scs
__scs_entry_jumppad:
0x0: {  	(pc) =	sbr.rel $0x88, $3  }
0x1: {  	(tag) =	ssettag $0x0;
	lr =	simm.s32 $0x1  }
0x2: {  	[smem:$0x3F95] =	sst lr;
	_ =	strace $0xD0000000  }
0x3: {  	_ = 	snop  }
0x4: {  	_ = 	snop  }
0x5: {  	_ = 	snop  }
0x6: {  	_ = 	snop  }
0x7: {  	_ = 	snop  }
__scs_overlays_trampoline_lowered:
0x8: {  	[smem:$0x3FA4] =	sst s0  }
0x9: {  	[smem:$0x3FA5] =	sst s1  }
0xa: {  	[smem:$0x3FA6] =	sst s2  }
0xb: {  	[smem:$0x3FA7] =	sst s3  }
0xc: {  	[smem:$0x3FA8] =	sst s4  }
0xd: {  	[smem:$0x3FA9] =	sst s5  }
0xe: {  	[smem:$0x3FAA] =	sst s6  }
0xf: {  	[smem:$0x3FAB] =	sst s7  }
0x10: {  	[smem:$0x3FAC] =	sst s8  }
0x11: {  	[smem:$0x3FAD] =	sst s9;
	s0 =	simm.s32 @!p0 $0x0  }
0x12: {  	s1 =	sld [smem:$0x3F93];
	s0 =	simm.s32 @p0 $0x1  }
0x13: {  	[smem:$0x3FAE] =	sst s0;
	s0 =	simm.s32 @!p1 $0x0  }
0x14: {  	s2 =	sld [smem:$0x3F92];
	s0 =	simm.s32 @p1 $0x1  }
0x15: {  	[smem:$0x3FAF] =	sst s0;
	s0 =	simm.s32 @!p2 $0x0  }
0x16: {  	s3 =	sld [smem:$0x3FDB];
	s0 =	simm.s32 @p2 $0x1  }
0x17: {  	s4 =	simm.s32 $0x1BF5;
	[smem:$0x3FB1] =	sst s0  }
0x18: {  	s0 =	sld [smem:$0x3F94];
	_ =	swait.ge [sflag:s4], $0x0  }
0x19: {  	s7 =	sld [smem:$0x3F95]  }
0x1a: {  	s8 =	sadd.s32 $0xFFFFE003, lr  }
0x1b: {  	s9 =	sadd.s32 $0xFFFFFEF7, lr;
	s5 =	simm.s32 $0xFFFFFFFF;
	p2 =	slt.u32 s8, $0xFFFFF086  }
0x1c: {  	p1 =	slt.u32 s9, $0xF7A;
	s5 =	simm.s32 @!p2 $0x0  }
0x1d: {  	s5 =	simm.s32 @p1 $0x1;
	p0 =	seq.s32 s7, s2  }
0x1e: {  	s7 =	smul.u32 @!p0 $0xF7A, s2;
	p2 =	seq.s32 @!p0 s5, $0x0  }
0x1f: {  	s9 =	smul.u32 $0xF7A, s1;
	s8 =	simm.s32 @!p0 $0x1BF5;
	p2 =	por !p2, p0  }
0x20: {  	[sflag:s8] =	ssyncset.s32 @!p0 $0xFFFFF086;
	s6 =	sadd.s32 @!p0 s3, s7;
	s7 =	simm.s32 @!p0 $0x108  }
0x21: {  	s3 =	sadd.s32 s3, s9;
	s6 =	sadd.s32 @!p0 $0x88, s6;
	s7 =	simm.s32 @p2 $0x1082  }
0x22: {  	[simem:s7], [sflag:s8] =	dma.local @!p0 [hbm:s6], $0xF7A  }
0x23: {  	s9 =	sor.u32 $0xD0000000, s2;
	s6 =	simm.s32 $0x108;
	_ =	swait.ge @!p0 [sflag:s8], $0x0  }
0x24: {  	s3 =	sadd.s32 $0x88, s3;
	s6 =	simm.s32 @!p1 $0x1082;
	[sflag:s4] =	ssyncset.s32 $0xFFFFF086  }
0x25: {  	[simem:s6], [sflag:s4] =	dma.local [hbm:s3], $0xF7A  }
0x26: {  	[smem:$0x3F95] =	sst s1;
	(tag) =	ssettag s2;
	_ =	strace s9  }
0x27: {  	s1 =	sld [smem:$0x3FA5]  }
0x28: {  	s2 =	sld [smem:$0x3FA6]  }
0x29: {  	s4 =	sld [smem:$0x3FA8]  }
0x2a: {  	p0 =	seq.s32 s5, $0x0;
	s5 =	sld [smem:$0x3FA9]  }
0x2b: {  	s6 =	sld [smem:$0x3FAA]  }
0x2c: {  	s7 =	sld [smem:$0x3FAB]  }
0x2d: {  	s3 =	simm.s32 $0x108;
	s8 =	sld [smem:$0x3FAC]  }
0x2e: {  	s3 =	simm.s32 @!p0 $0x1082;
	s9 =	sld [smem:$0x3FAD]  }
0x2f: {  	lr =	sadd.s32 s0, s3;
	s0 =	sld [smem:$0x3FA4]  }
0x30: {  	s3 =	sld [smem:$0x3FA7]  }
0x31: {  	[smem:$0x3FB0] =	sst s10  }
0x32: {  	s10 =	sld [smem:$0x3FAE];
	_ =	sdelay $0x3  }
0x33: {  	p0 =	seq.s32 s10, $0x1;
	s10 =	sld [smem:$0x3FB0];
	_ =	sdelay $0x3  }
0x34: {  	[smem:$0x3FB0] =	sst s10  }
0x35: {  	s10 =	sld [smem:$0x3FAF];
	_ =	sdelay $0x3  }
0x36: {  	p1 =	seq.s32 s10, $0x1;
	s10 =	sld [smem:$0x3FB0];
	_ =	sdelay $0x3  }
0x37: {  	[smem:$0x3FB0] =	sst s10  }
0x38: {  	s10 =	sld [smem:$0x3FB1]  }
0x39: {  	_ = 	snop;
	(pc) =	sbr.ind lr, $3  }
0x3a: {  	_ = 	snop  }
0x3b: {  	_ = 	snop  }
0x3c: {  	p2 =	seq.s32 s10, $0x1;
	s10 =	sld [smem:$0x3FB0]  }
0x3d: {  	_ =	shalt  }
0x3e: {  	_ =	shalt  }
0x3f: {  	_ =	shalt  }
0x40: {  	_ =	shalt  }
0x41: {  	_ =	shalt  }
0x42: {  	_ =	shalt  }
0x43: {  	_ =	shalt  }
0x44: {  	_ =	shalt  }
0x45: {  	_ =	shalt  }
0x46: {  	_ =	shalt  }
0x47: {  	_ =	shalt  }
0x48: {  	_ =	shalt  }
0x49: {  	_ =	shalt  }
0x4a: {  	_ =	shalt  }
0x4b: {  	_ =	shalt  }
0x4c: {  	_ =	shalt  }
0x4d: {  	_ =	shalt  }
0x4e: {  	_ =	shalt  }
0x4f: {  	_ =	shalt  }
0x50: {  	_ =	shalt  }
0x51: {  	_ =	shalt  }
0x52: {  	_ =	shalt  }
0x53: {  	_ =	shalt  }
0x54: {  	_ =	shalt  }
0x55: {  	_ =	shalt  }
0x56: {  	_ =	shalt  }
0x57: {  	_ =	shalt  }
0x58: {  	_ =	shalt  }
0x59: {  	_ =	shalt  }
0x5a: {  	_ =	shalt  }
0x5b: {  	_ =	shalt  }
0x5c: {  	_ =	shalt  }
0x5d: {  	_ =	shalt  }
0x5e: {  	_ =	shalt  }
0x5f: {  	_ =	shalt  }
0x60: {  	_ =	shalt  }
0x61: {  	_ =	shalt  }
0x62: {  	_ =	shalt  }
0x63: {  	_ =	shalt  }
0x64: {  	_ =	shalt  }
0x65: {  	_ =	shalt  }
0x66: {  	_ =	shalt  }
0x67: {  	_ =	shalt  }
0x68: {  	_ =	shalt  }
0x69: {  	_ =	shalt  }
0x6a: {  	_ =	shalt  }
0x6b: {  	_ =	shalt  }
0x6c: {  	_ =	shalt  }
0x6d: {  	_ =	shalt  }
0x6e: {  	_ =	shalt  }
0x6f: {  	_ =	shalt  }
0x70: {  	_ =	shalt  }
0x71: {  	_ =	shalt  }
0x72: {  	_ =	shalt  }
0x73: {  	_ =	shalt  }
0x74: {  	_ =	shalt  }
0x75: {  	_ =	shalt  }
0x76: {  	_ =	shalt  }
0x77: {  	_ =	shalt  }
0x78: {  	_ =	shalt  }
0x79: {  	_ =	shalt  }
0x7a: {  	_ =	shalt  }
0x7b: {  	_ =	shalt  }
0x7c: {  	_ =	shalt  }
0x7d: {  	_ =	shalt  }
0x7e: {  	_ =	shalt  }
0x7f: {  	_ =	shalt  }
0x80: {  	_ =	shalt  }
0x81: {  	_ =	shalt  }
0x82: {  	_ =	shalt  }
0x83: {  	_ =	shalt  }
0x84: {  	_ =	shalt  }
0x85: {  	_ =	shalt  }
0x86: {  	_ =	shalt  }
0x87: {  	_ =	shalt  }
.Lfunc_end0:
.L_simem_size_0:
called_computation.1_lowered:
.L_overlay_start_0:
0x88: {  	s2 =	sld [smem:$0x3FD9]  }
0x89: {  	s3 =	sld [smem:$0x3FFE];
	_ =	sdelay $0x1  }
0x8a: {  	s1 =	srdreg.scid  }
0x8b: {  	s0 =	sand.u32 $0x1, s1  }
0x8c: {  	s17 =	sshll.u32 s0, $0xA;
	s2 =	sadd.s32 s3, s2  }
0x8d: {  	s2 =	sadd.s32 s2, s17  }
0x8e: {  	[smem:$0x3FBC] =	sst s2  }
0x8f: {  	_ = 	snop  }
0x90: {  	s2 =	sld [smem:$0x3FD0];
	(tm) =	ssettm $0x1  }
0x91: {  	s18 =	sld [smem:$0x3FFB];
	_ =	sdelay $0x3  }
0x92: {  	_ =	strace s18  }
0x93: {  	s3 =	sld [smem:$0x3FFC];
	_ =	sdelay $0x3  }
0x94: {  	_ =	strace s3  }
0x95: {  	s3 =	sld [smem:$0x3FFD];
	_ =	sdelay $0x3  }
0x96: {  	_ =	strace s3  }
0x97: {  	_ =	strace $0x8FFFFFFF  }
0x98: {  	s19 =	sld [smem:$0x3FDB];
	_ =	sdelay $0x1  }
0x99: {  	s4 =	simm.s32 $_scs_section_size  }
0x9a: {  	s5 =	simm.s32 $_size__tile_overlayer_lowered;
	s6 =	simm.s32 $_tile_overlayer_lowered  }
0x9b: {  	s22 =	simm.s32 $0x1BFF;
	s21 =	sshll.u32 s6, $0x1;
	s3 =	sadd.s32 s4, s19  }
0x9c: {  	s7 =	simm.s32 $0x0;
	s20 =	sshll.u32 s5, $0x1;
	s5 =	sadd.s32 s21, s3  }
0x9d: {  	[timem:s7], [sflag:s22] =	dma.local [hbm:s5], s20  }
0x9e: {  	_ =	swait.ge [sflag:s22], s20  }
0x9f: {  	s4 =	ssub.s32 $0x0, s20;
	[sflag:s22] =	ssyncset.done $0x0  }
0xa0: {  	[sflag:s22] =	ssyncadd.s32 s4;
	_ =	sdelay $0x1  }
0xa1: {  	s23 =	simm.s32 $0x1B8B  }
0xa2: {  	_ =	swait.ge [sflag:s23], $0x1  }
0xa3: {  	[sflag:s23] =	ssyncset.done $0x0  }
0xa4: {  	s25 =	simm.s32 $0x1B8E;
	s24 =	sld [smem:$0x3FFE];
	[sflag:s23] =	ssyncadd.s32 $0xFFFFFFFF  }
0xa5: {  	s26 =	simm.s32 $execute0_lowered;
	[smem:$0x3FD2] =	sst s25  }
0xa6: {  	s5 =	sshll.u32 s26, $0x1;
	_ =	strace $0x80000046;
	[dreg:$0x1] =	wrdreg $0xFFFFFFFF  }
0xa7: {  	s28 =	simm.s32 $_size_execute0_lowered;
	s3 =	sadd.s32 s3, s5;
	[dreg:$0x0] =	wrdreg $0x0  }
0xa8: {  	s5 =	sshll.u32 s28, $0x1;
	[dreg:$0x2] =	wrdreg s3  }
0xa9: {  	[dreg:$0x3] =	wrdreg s5  }
0xaa: {  	[dreg:$0x4] =	wrdreg $0xC0  }
0xab: {  	_ =	task [dreg:s7], $0x5FFFF  }
0xac: {  	[dreg:$0x1] =	wrdreg $0xFFFFFFFF  }
0xad: {  	[dreg:$0x0] =	wrdreg $0x60  }
0xae: {  	[dreg:$0x2] =	wrdreg s2  }
0xaf: {  	[dreg:$0x3] =	wrdreg s24  }
0xb0: {  	[dreg:$0x4] =	wrdreg $0xBB800  }
0xb1: {  	[dreg:$0x5] =	wrdreg $0xA  }
0xb2: {  	_ =	task.clear_ibuf [dreg:s7], $0x6FFFF;
	_ =	strace $0x90000046  }
0xb3: {  	s29 =	simm.s32 $0xA;
	_ =	strace $0x80000048  }
0xb4: {  	_ =	swait.ge [sflag:s29], $0x1  }
0xb5: {  	[sflag:s29] =	ssyncadd.s32 $0xFFFFFFFF  }
0xb6: {  	_ =	strace $0x90000048  }
0xb7: {  	_ =	sfence  }
0xb8: {  	s30 =	sld [smem:$0x0];
	_ =	sdelay $0x2  }
0xb9: {  	s31 =	sshll.u32 s1, $0xD;
	s1 =	sshrl.u32 s1, $0x2  }
0xba: {  	s3 =	sand.u32 $0x4000, s31;
	s1 =	sadd.s32 s1, s30  }
0xbb: {  	s0 =	sor.u32 s3, s0;
	s1 =	sshll.u32 s1, $0x11  }
0xbc: {  	s0 =	sor.u32 s1, s0  }
0xbd: {  	s0 =	sadd.s32 $0x8F2B, s0  }
0xbe: {  	[sflag:s0] =	ssyncadd.remote.s32 $0x1  }
0xbf: {  	_ =	sfence.sel $0xFFFF  }
0xc0: {  	[dreg:$0x0] =	wrdreg $0xFFFFFFFF;
	(pc) =	sbr.abs _section_cstart, $3  }
0xc1: {  	[dreg:$0x1] =	wrdreg $0xFFFFFFFF  }
0xc2: {  	_ =	task.clear_ibuf [dreg:s7], $0x2FFFF;
	_ =	strace $0x9FFFFFFF  }
0xc3: {  	(tm) =	ssettm $0x7FFFFFFF  }
tec
execute0_lowered:
.L_overlay_start_1:
0x0: {  	(tag) =	ssettag $0x1  }
0x1: {  	s6 =	rddreg [dreg:$0x0]  }
0x2: {  	s7 =	rddreg [dreg:$0x1]  }
0x3: {  	s2 =	rddreg [dreg:$0x2]  }
0x4: {  	s0 =	rddreg [dreg:$0x3]  }
0x5: {  	s4 =	srdreg.scid;
	s1 =	stileid.u32  }
0x6: {  	s3 =	simm.s32 $0x0;
	s14 =	simm.s32 $0x50;
	s15 =	simm.s32 $0x6780  }
0x7: {  	s16 =	simm.s32 $0x8F80;
	s17 =	simm.s32 $0x1;
	s18 =	simm.s32 $0x2  }
0x8: {  	s19 =	simm.s32 $0x6480;
	s20 =	simm.s32 $0x26C0;
	s21 =	simm.s32 $0x6500  }
0x9: {  	s22 =	simm.s32 $0x6580;
	s23 =	simm.s32 $0x0;
	s8 =	sand.u32 $0x1, s4  }
0xa: {  	s29 =	sshll.u32 s1, $0x1;
	[smem:$0x7FF] =	sst s3;
	s11 =	smul.u32 $0x14000, s1  }
0xb: {  	s5 =	sadd.s32 $0x12C00, s7;
	s30 =	smul.u32 $0x50000, s1;
	s9 =	sor.u32 s8, s29  }
0xc: {  	s10 =	smul.u32 $0x140000, s8;
	_ =	strace $0x80000047;
	s8 =	ssub.s32 $0x2, s8  }
0xd: {  	s4 =	sshll.u32 s9, $0xB;
	s13 =	sshrl.u32 s8, $0x1;
	s9 =	smul.u32 $0x4E2, s9  }
0xe: {  	s31 =	sshrl.u32 s30, $0x2;
	s12 =	sadd.s32 s4, s7;
	s4 =	sadd.s32 $0x39E00, s7  }
0xf: {  	s10 =	sadd.s32 s11, s10;
	s13 =	ssub.s32 s8, s13;
	s8 =	sadd.s32 s31, s2  }
0x10: {  	s11 =	simm.s32 $0x3;
	s10 =	sshrl.u32 s10, $0x3;
	s6 =	sadd.s32 s6, s9  }
0x11: {  	s10 =	sadd.s32 s10, s7;
	s7 =	sadd.s32 $0x2C00, s12;
	s12 =	simm.s32 $0x2780  }
0x12: {  	s9 =	sadd.s32 $0x3A000, s10;
	s10 =	smax.u32 s13, $0x1;
	s13 =	simm.s32 $0xB780  }
.LBB2_1:
0x13: {  	[tilespmem:s3], [sflag:$0x3] =	stream.linear.gather [hbm4b:s6+s3], $0x2710, $0x38;
	[tilespmem:$0x1FB80] =	vst v63  }
0x14: {  	_ =	swait.ge [sflag:s11], $0x2710  }
0x15: {  	[sflag:s11] =	ssyncset.done $0x0  }
0x16: {  	[sflag:s11] =	ssyncadd.s32 $0xFFFFD8F0  }
0x17: {  	[tilespmem:s12], [sflag:$0x3] =	stream.linear.gather [hbm4b:s7+s3], $0x3E80, $0x38;
	[tilespmem:$0x1FB80] =	vst v63  }
0x18: {  	_ =	swait.ge [sflag:s11], $0x3E80  }
0x19: {  	[sflag:s11] =	ssyncset.done $0x0  }
0x1a: {  	[sflag:s11] =	ssyncadd.s32 $0xFFFFC180  }
0x1b: {  	[tilespmem:s13], [sflag:$0x3] =	stream.linear.gather [hbm4b:s4+s3], $0x400, $0x38;
	[tilespmem:$0x1FB80] =	vst v63  }
0x1c: {  	_ =	swait.ge [sflag:s11], $0x400  }
0x1d: {  	[sflag:s11] =	ssyncset.done $0x0  }
0x1e: {  	s24 =	sadd.s32 $0x0, s8;
	[sflag:s11] =	ssyncadd.s32 $0xFFFFFC00  }
0x1f: {  	[spmem:s24] =	stream.linear.scatter [tilespmem:s13], [sflag:$0x3], $0x400, $0x38;
	[tilespmem:$0x1FB80] =	vst v63  }
0x20: {  	s24 =	simm.s32 $0x1000;
	_ =	swait.ge [sflag:s11], $0x400  }
.LBB2_2:
0x21: {  	s25 =	sshra.s32 s24, $0x2;
	[sflag:s11] =	ssyncset.done $0x0;
	p0 =	sne.s32 s24, $0x4F000  }
.Ltmp0:
0x22: {  	s25 =	sadd.s32 s25, s8;
	[sflag:s11] =	ssyncadd.s32 $0xFFFFFC00;
	(pc) =	sbr.rel @p0 .LBB2_2-.Ltmp0, $3  }
0x23: {  	[spmem:s25] =	stream.linear.scatter [tilespmem:s13], [sflag:$0x3], $0x400, $0x38;
	[tilespmem:$0x1FB80] =	vst v63  }
0x24: {  	s24 =	sadd.s32 $0x1000, s24;
	_ =	sdelay $0x1  }
0x25: {  	_ =	swait.ge [sflag:s11], $0x400  }
0x26: {  	[sflag:s11] =	ssyncset.done $0x0  }
0x27: {  	[sflag:s11] =	ssyncadd.s32 $0xFFFFFC00  }
0x28: {  	s24 =	simm.s32 $0x0;
	[bflag:$0x0] =	sbarrier.arrive $0xFFFF  }
0x29: {  	[tilespmem:s15], [sflag:$0x1] =	stream.indirect.gather [hbm4b:s5+s14], $0x80, s24, s14, $0xb8;
	[tilespmem:$0x1FB80] =	vst v63  }
0x2a: {  	_ = 	snop  }
0x2b: {  	[tilespmem:s16], [sflag:$0x2] =	stream.indirect.gather [hbm4b:s5+s14], $0x80, s14, s14, $0xb8;
	[tilespmem:$0x1FB80] =	vst v63  }
0x2c: {  	_ =	swait.ge [sflag:s17], $0x2800  }
0x2d: {  	[sflag:s17] =	ssyncset.done $0x0  }
0x2e: {  	s29 =	simm.s32 $0x2780;
	[sflag:s17] =	ssyncadd.s32 $0xFFFFD800  }
0x2f: {  	[spmem:s2] =	stream.indirect.scatter.add.f32 [tilespmem:s15], [sflag:$0x3], $0x80, s29, s14, $0xb8;
	[tilespmem:$0x1FB80] =	vst v63  }
0x30: {  	_ =	swait.ge [sflag:s11], $0x2800  }
0x31: {  	[sflag:s11] =	ssyncset.done $0x0  }
0x32: {  	s30 =	simm.s32 $0xA0;
	[sflag:s11] =	ssyncadd.s32 $0xFFFFD800  }
0x33: {  	[tilespmem:s15], [sflag:$0x1] =	stream.indirect.gather [hbm4b:s5+s14], $0x80, s30, s14, $0xb8;
	[tilespmem:$0x1FB80] =	vst v63  }
0x34: {  	_ =	swait.ge [sflag:s18], $0x2800  }
0x35: {  	[sflag:s18] =	ssyncset.done $0x0  }
0x36: {  	s31 =	simm.s32 $0x2800;
	[sflag:s18] =	ssyncadd.s32 $0xFFFFD800  }
0x37: {  	[spmem:s2] =	stream.indirect.scatter.add.f32 [tilespmem:s16], [sflag:$0x3], $0x80, s31, s14, $0xb8;
	[tilespmem:$0x1FB80] =	vst v63  }
0x38: {  	_ =	swait.ge [sflag:s11], $0x2800  }
0x39: {  	s25 =	simm.s32 $0x400;
	[sflag:s11] =	ssyncset.done $0x0  }
0x3a: {  	s26 =	simm.s32 $0x190;
	s24 =	simm.s32 $0xF0;
	[sflag:s11] =	ssyncadd.s32 $0xFFFFD800  }
.LBB2_4:
0x3b: {  	[tilespmem:s16], [sflag:$0x2] =	stream.indirect.gather [hbm4b:s5+s14], $0x80, s24, s14, $0xb8;
	[tilespmem:$0x1FB80] =	vst v63  }
0x3c: {  	s28 =	smov.u32 s25;
	s24 =	smov.u32 s26  }
0x3d: {  	p0 =	sne.s32 s25, $0xF000;
	s25 =	sadd.s32 $0x400, s25;
	_ =	swait.ge [sflag:s17], $0x2800  }
0x3e: {  	s28 =	sshra.s32 s28, $0x2;
	[sflag:s17] =	ssyncset.done $0x0  }
0x3f: {  	s29 =	sadd.s32 $0x2780, s28;
	[sflag:s17] =	ssyncadd.s32 $0xFFFFD800  }
0x40: {  	[spmem:s2] =	stream.indirect.scatter.add.f32 [tilespmem:s15], [sflag:$0x3], $0x80, s29, s14, $0xb8;
	[tilespmem:$0x1FB80] =	vst v63  }
0x41: {  	_ =	swait.ge [sflag:s11], $0x2800  }
0x42: {  	[sflag:s11] =	ssyncset.done $0x0  }
0x43: {  	s29 =	sadd.s32 $0xFFFFFFB0, s26;
	[sflag:s11] =	ssyncadd.s32 $0xFFFFD800  }
0x44: {  	[tilespmem:s15], [sflag:$0x1] =	stream.indirect.gather [hbm4b:s5+s14], $0x80, s29, s14, $0xb8;
	[tilespmem:$0x1FB80] =	vst v63  }
0x45: {  	_ =	swait.ge [sflag:s18], $0x2800  }
0x46: {  	[sflag:s18] =	ssyncset.done $0x0  }
.Ltmp1:
0x47: {  	s28 =	sadd.s32 $0x2800, s28;
	[sflag:s18] =	ssyncadd.s32 $0xFFFFD800;
	(pc) =	sbr.rel @p0 .LBB2_4-.Ltmp1, $4  }
0x48: {  	[spmem:s2] =	stream.indirect.scatter.add.f32 [tilespmem:s16], [sflag:$0x3], $0x80, s28, s14, $0xb8;
	[tilespmem:$0x1FB80] =	vst v63  }
0x49: {  	_ =	swait.ge [sflag:s11], $0x2800  }
0x4a: {  	[sflag:s11] =	ssyncset.done $0x0  }
0x4b: {  	s26 =	sadd.s32 $0xA0, s26;
	[sflag:s11] =	ssyncadd.s32 $0xFFFFD800  }
0x4c: {  	[tilespmem:s16], [sflag:$0x2] =	stream.indirect.gather [hbm4b:s5+s14], $0x80, s24, s14, $0xb8;
	[tilespmem:$0x1FB80] =	vst v63  }
0x4d: {  	_ =	swait.ge [sflag:s17], $0x2800  }
0x4e: {  	[sflag:s17] =	ssyncset.done $0x0  }
0x4f: {  	[sflag:s17] =	ssyncadd.s32 $0xFFFFD800  }
0x50: {  	[spmem:s2] =	stream.indirect.scatter.add.f32 [tilespmem:s15], [sflag:$0x3], $0x80, s19, s14, $0xb8;
	[tilespmem:$0x1FB80] =	vst v63  }
0x51: {  	_ =	swait.ge [sflag:s11], $0x2800  }
0x52: {  	[sflag:s11] =	ssyncset.done $0x0  }
0x53: {  	[sflag:s11] =	ssyncadd.s32 $0xFFFFD800  }
0x54: {  	[tilespmem:s15], [sflag:$0x1] =	stream.indirect.gather [hbm4b:s5+s14], $0x80, s20, s14, $0xb8;
	[tilespmem:$0x1FB80] =	vst v63  }
0x55: {  	_ =	swait.ge [sflag:s18], $0x2800  }
0x56: {  	[sflag:s18] =	ssyncset.done $0x0  }
0x57: {  	[sflag:s18] =	ssyncadd.s32 $0xFFFFD800  }
0x58: {  	[spmem:s2] =	stream.indirect.scatter.add.f32 [tilespmem:s16], [sflag:$0x3], $0x80, s21, s14, $0xb8;
	[tilespmem:$0x1FB80] =	vst v63  }
0x59: {  	_ =	swait.ge [sflag:s11], $0x2800  }
0x5a: {  	[sflag:s11] =	ssyncset.done $0x0  }
0x5b: {  	[sflag:s11] =	ssyncadd.s32 $0xFFFFD800  }
0x5c: {  	_ =	swait.ge [sflag:s17], $0x2800  }
0x5d: {  	[sflag:s17] =	ssyncset.done $0x0  }
0x5e: {  	[sflag:s17] =	ssyncadd.s32 $0xFFFFD800  }
0x5f: {  	[spmem:s2] =	stream.indirect.scatter.add.f32 [tilespmem:s15], [sflag:$0x3], $0x80, s22, s14, $0xb8;
	[tilespmem:$0x1FB80] =	vst v63  }
0x60: {  	_ =	swait.ge [sflag:s11], $0x2800  }
0x61: {  	s31 =	sshll.u32 s1, $0x6;
	s23 =	sadd.s32 $0x1, s23;
	[sflag:s11] =	ssyncset.done $0x0  }
0x62: {  	s25 =	sshrl.u32 s8, $0x3;
	p0 =	sne.s32 s23, s10;
	[sflag:s11] =	ssyncadd.s32 $0xFFFFD800  }
.Ltmp2:
0x63: {  	s24 =	sor.u32 $0x1C03, s31;
	[bflag:$0x0] =	sbarrier.arrive $0xFFFF;
	(pc) =	sbr.rel @p0 .LBB2_1-.Ltmp2, $4  }
0x64: {  	[hbm:s9], [sflag:s24] =	dma.local [spmem:s25], $0x2800  }
0x65: {  	_ =	swait.ge [sflag:s11], $0x2800  }
0x66: {  	[sflag:s11] =	ssyncset.done $0x0  }
0x67: {  	[sflag:s11] =	ssyncadd.s32 $0xFFFFD800  }
0x68: {  	_ =	sfence.sel $0x180000  }
0x69: {  	[bflag:$0x0] =	sbarrier.arrive $0xFFFF  }
0x6a: {  	p0 =	sne.s32 s1, $0x0;
	_ =	strace $0x90000047  }
0x6b: {  	s0 =	sadd.s32 @!p0 $0x100000, s0;
	[bflag:$0x2] =	sbarrier.arrive $0xFFFF  }
0x6c: {  	[sflag:s0] =	ssyncadd.tile.s32 @!p0 $0x1;
	_ =	shalt  }
.Lfunc_end2:
_tile_overlayer_lowered:
.L_overlay_start_2:
0x6d: {  	(tag) =	ssettag $0x2  }
0x6e: {  	s0 =	rddreg [dreg:$0x0];
	s2 =	stileid.u32  }
0x6f: {  	s1 =	rddreg [dreg:$0x1];
	p0 =	sne.s32 s2, $0x0  }
0x70: {  	s3 =	rddreg [dreg:$0x2];
	[bflag:$0x3] =	sbarrier.arrive $0xFFFF;
	s2 =	simm.s32 @!p0 $0x1C03  }
0x71: {  	[timem:s3], [sflag:s2] =	dma.local @!p0 [hbm:s0], s1  }
0x72: {  	s0 =	simm.s32 @!p0 $0x3  }
0x73: {  	_ =	swait.ge @!p0 [sflag:s0], s1  }
0x74: {  	s1 =	ssub.s32 @!p0 $0x0, s1;
	[sflag:s0] =	ssyncset.done @!p0 $0x0  }
0x75: {  	[sflag:s0] =	ssyncadd.s32 @!p0 s1  }
0x76: {  	[bflag:$0x3] =	sbarrier.arrive $0xFFFF  }
0x77: {  	_ =	shalt  }

// kernel: _impl.16.cloned.1.call-start
scs
__scs_entry_jumppad:
0x0: {  	(pc) =	sbr.rel $0x88, $3  }
0x1: {  	(tag) =	ssettag $0x0;
	lr =	simm.s32 $0x1  }
0x2: {  	[smem:$0x3F95] =	sst lr;
	_ =	strace $0xD0000000  }
0x3: {  	_ = 	snop  }
0x4: {  	_ = 	snop  }
0x5: {  	_ = 	snop  }
0x6: {  	_ = 	snop  }
0x7: {  	_ = 	snop  }
__scs_overlays_trampoline_lowered:
0x8: {  	[smem:$0x3FA4] =	sst s0  }
0x9: {  	[smem:$0x3FA5] =	sst s1  }
0xa: {  	[smem:$0x3FA6] =	sst s2  }
0xb: {  	[smem:$0x3FA7] =	sst s3  }
0xc: {  	[smem:$0x3FA8] =	sst s4  }
0xd: {  	[smem:$0x3FA9] =	sst s5  }
0xe: {  	[smem:$0x3FAA] =	sst s6  }
0xf: {  	[smem:$0x3FAB] =	sst s7  }
0x10: {  	[smem:$0x3FAC] =	sst s8  }
0x11: {  	[smem:$0x3FAD] =	sst s9;
	s0 =	simm.s32 @!p0 $0x0  }
0x12: {  	s1 =	sld [smem:$0x3F93];
	s0 =	simm.s32 @p0 $0x1  }
0x13: {  	[smem:$0x3FAE] =	sst s0;
	s0 =	simm.s32 @!p1 $0x0  }
0x14: {  	s2 =	sld [smem:$0x3F92];
	s0 =	simm.s32 @p1 $0x1  }
0x15: {  	[smem:$0x3FAF] =	sst s0;
	s0 =	simm.s32 @!p2 $0x0  }
0x16: {  	s3 =	sld [smem:$0x3FDB];
	s0 =	simm.s32 @p2 $0x1  }
0x17: {  	s4 =	simm.s32 $0x1BF5;
	[smem:$0x3FB1] =	sst s0  }
0x18: {  	s0 =	sld [smem:$0x3F94];
	_ =	swait.ge [sflag:s4], $0x0  }
0x19: {  	s7 =	sld [smem:$0x3F95]  }
0x1a: {  	s8 =	sadd.s32 $0xFFFFE003, lr  }
0x1b: {  	s9 =	sadd.s32 $0xFFFFFEF7, lr;
	s5 =	simm.s32 $0xFFFFFFFF;
	p2 =	slt.u32 s8, $0xFFFFF086  }
0x1c: {  	p1 =	slt.u32 s9, $0xF7A;
	s5 =	simm.s32 @!p2 $0x0  }
0x1d: {  	s5 =	simm.s32 @p1 $0x1;
	p0 =	seq.s32 s7, s2  }
0x1e: {  	s7 =	smul.u32 @!p0 $0xF7A, s2;
	p2 =	seq.s32 @!p0 s5, $0x0  }
0x1f: {  	s9 =	smul.u32 $0xF7A, s1;
	s8 =	simm.s32 @!p0 $0x1BF5;
	p2 =	por !p2, p0  }
0x20: {  	[sflag:s8] =	ssyncset.s32 @!p0 $0xFFFFF086;
	s6 =	sadd.s32 @!p0 s3, s7;
	s7 =	simm.s32 @!p0 $0x108  }
0x21: {  	s3 =	sadd.s32 s3, s9;
	s6 =	sadd.s32 @!p0 $0x88, s6;
	s7 =	simm.s32 @p2 $0x1082  }
0x22: {  	[simem:s7], [sflag:s8] =	dma.local @!p0 [hbm:s6], $0xF7A  }
0x23: {  	s9 =	sor.u32 $0xD0000000, s2;
	s6 =	simm.s32 $0x108;
	_ =	swait.ge @!p0 [sflag:s8], $0x0  }
0x24: {  	s3 =	sadd.s32 $0x88, s3;
	s6 =	simm.s32 @!p1 $0x1082;
	[sflag:s4] =	ssyncset.s32 $0xFFFFF086  }
0x25: {  	[simem:s6], [sflag:s4] =	dma.local [hbm:s3], $0xF7A  }
0x26: {  	[smem:$0x3F95] =	sst s1;
	(tag) =	ssettag s2;
	_ =	strace s9  }
0x27: {  	s1 =	sld [smem:$0x3FA5]  }
0x28: {  	s2 =	sld [smem:$0x3FA6]  }
0x29: {  	s4 =	sld [smem:$0x3FA8]  }
0x2a: {  	p0 =	seq.s32 s5, $0x0;
	s5 =	sld [smem:$0x3FA9]  }
0x2b: {  	s6 =	sld [smem:$0x3FAA]  }
0x2c: {  	s7 =	sld [smem:$0x3FAB]  }
0x2d: {  	s3 =	simm.s32 $0x108;
	s8 =	sld [smem:$0x3FAC]  }
0x2e: {  	s3 =	simm.s32 @!p0 $0x1082;
	s9 =	sld [smem:$0x3FAD]  }
0x2f: {  	lr =	sadd.s32 s0, s3;
	s0 =	sld [smem:$0x3FA4]  }
0x30: {  	s3 =	sld [smem:$0x3FA7]  }
0x31: {  	[smem:$0x3FB0] =	sst s10  }
0x32: {  	s10 =	sld [smem:$0x3FAE];
	_ =	sdelay $0x3  }
0x33: {  	p0 =	seq.s32 s10, $0x1;
	s10 =	sld [smem:$0x3FB0];
	_ =	sdelay $0x3  }
0x34: {  	[smem:$0x3FB0] =	sst s10  }
0x35: {  	s10 =	sld [smem:$0x3FAF];
	_ =	sdelay $0x3  }
0x36: {  	p1 =	seq.s32 s10, $0x1;
	s10 =	sld [smem:$0x3FB0];
	_ =	sdelay $0x3  }
0x37: {  	[smem:$0x3FB0] =	sst s10  }
0x38: {  	s10 =	sld [smem:$0x3FB1]  }
0x39: {  	_ = 	snop;
	(pc) =	sbr.ind lr, $3  }
0x3a: {  	_ = 	snop  }
0x3b: {  	_ = 	snop  }
0x3c: {  	p2 =	seq.s32 s10, $0x1;
	s10 =	sld [smem:$0x3FB0]  }
0x3d: {  	_ =	shalt  }
0x3e: {  	_ =	shalt  }
0x3f: {  	_ =	shalt  }
0x40: {  	_ =	shalt  }
0x41: {  	_ =	shalt  }
0x42: {  	_ =	shalt  }
0x43: {  	_ =	shalt  }
0x44: {  	_ =	shalt  }
0x45: {  	_ =	shalt  }
0x46: {  	_ =	shalt  }
0x47: {  	_ =	shalt  }
0x48: {  	_ =	shalt  }
0x49: {  	_ =	shalt  }
0x4a: {  	_ =	shalt  }
0x4b: {  	_ =	shalt  }
0x4c: {  	_ =	shalt  }
0x4d: {  	_ =	shalt  }
0x4e: {  	_ =	shalt  }
0x4f: {  	_ =	shalt  }
0x50: {  	_ =	shalt  }
0x51: {  	_ =	shalt  }
0x52: {  	_ =	shalt  }
0x53: {  	_ =	shalt  }
0x54: {  	_ =	shalt  }
0x55: {  	_ =	shalt  }
0x56: {  	_ =	shalt  }
0x57: {  	_ =	shalt  }
0x58: {  	_ =	shalt  }
0x59: {  	_ =	shalt  }
0x5a: {  	_ =	shalt  }
0x5b: {  	_ =	shalt  }
0x5c: {  	_ =	shalt  }
0x5d: {  	_ =	shalt  }
0x5e: {  	_ =	shalt  }
0x5f: {  	_ =	shalt  }
0x60: {  	_ =	shalt  }
0x61: {  	_ =	shalt  }
0x62: {  	_ =	shalt  }
0x63: {  	_ =	shalt  }
0x64: {  	_ =	shalt  }
0x65: {  	_ =	shalt  }
0x66: {  	_ =	shalt  }
0x67: {  	_ =	shalt  }
0x68: {  	_ =	shalt  }
0x69: {  	_ =	shalt  }
0x6a: {  	_ =	shalt  }
0x6b: {  	_ =	shalt  }
0x6c: {  	_ =	shalt  }
0x6d: {  	_ =	shalt  }
0x6e: {  	_ =	shalt  }
0x6f: {  	_ =	shalt  }
0x70: {  	_ =	shalt  }
0x71: {  	_ =	shalt  }
0x72: {  	_ =	shalt  }
0x73: {  	_ =	shalt  }
0x74: {  	_ =	shalt  }
0x75: {  	_ =	shalt  }
0x76: {  	_ =	shalt  }
0x77: {  	_ =	shalt  }
0x78: {  	_ =	shalt  }
0x79: {  	_ =	shalt  }
0x7a: {  	_ =	shalt  }
0x7b: {  	_ =	shalt  }
0x7c: {  	_ =	shalt  }
0x7d: {  	_ =	shalt  }
0x7e: {  	_ =	shalt  }
0x7f: {  	_ =	shalt  }
0x80: {  	_ =	shalt  }
0x81: {  	_ =	shalt  }
0x82: {  	_ =	shalt  }
0x83: {  	_ =	shalt  }
0x84: {  	_ =	shalt  }
0x85: {  	_ =	shalt  }
0x86: {  	_ =	shalt  }
0x87: {  	_ =	shalt  }
.Lfunc_end0:
.L_simem_size_0:
called_computation.2_lowered:
.L_overlay_start_0:
0x88: {  	s2 =	sld [smem:$0x3FD9]  }
0x89: {  	s3 =	sld [smem:$0x3FFE];
	_ =	sdelay $0x1  }
0x8a: {  	s1 =	srdreg.scid  }
0x8b: {  	s0 =	sand.u32 $0x1, s1  }
0x8c: {  	s17 =	sshll.u32 s0, $0xA;
	s2 =	sadd.s32 s3, s2  }
0x8d: {  	s2 =	sadd.s32 s2, s17  }
0x8e: {  	[smem:$0x3FBC] =	sst s2  }
0x8f: {  	_ = 	snop  }
0x90: {  	s2 =	sld [smem:$0x3FD0];
	(tm) =	ssettm $0x1  }
0x91: {  	s18 =	sld [smem:$0x3FFB];
	_ =	sdelay $0x3  }
0x92: {  	_ =	strace s18  }
0x93: {  	s3 =	sld [smem:$0x3FFC];
	_ =	sdelay $0x3  }
0x94: {  	_ =	strace s3  }
0x95: {  	s3 =	sld [smem:$0x3FFD];
	_ =	sdelay $0x3  }
0x96: {  	_ =	strace s3  }
0x97: {  	_ =	strace $0x8FFFFFFF  }
0x98: {  	s19 =	sld [smem:$0x3FDB];
	_ =	sdelay $0x1  }
0x99: {  	s4 =	simm.s32 $_scs_section_size  }
0x9a: {  	s5 =	simm.s32 $_size__tile_overlayer_lowered;
	s6 =	simm.s32 $_tile_overlayer_lowered  }
0x9b: {  	s22 =	simm.s32 $0x1BFF;
	s21 =	sshll.u32 s6, $0x1;
	s3 =	sadd.s32 s4, s19  }
0x9c: {  	s7 =	simm.s32 $0x0;
	s20 =	sshll.u32 s5, $0x1;
	s5 =	sadd.s32 s21, s3  }
0x9d: {  	[timem:s7], [sflag:s22] =	dma.local [hbm:s5], s20  }
0x9e: {  	_ =	swait.ge [sflag:s22], s20  }
0x9f: {  	s4 =	ssub.s32 $0x0, s20;
	[sflag:s22] =	ssyncset.done $0x0  }
0xa0: {  	[sflag:s22] =	ssyncadd.s32 s4;
	_ =	sdelay $0x1  }
0xa1: {  	s23 =	simm.s32 $0x1B8B  }
0xa2: {  	_ =	swait.ge [sflag:s23], $0x1  }
0xa3: {  	[sflag:s23] =	ssyncset.done $0x0  }
0xa4: {  	s25 =	simm.s32 $0x1B8E;
	s24 =	sld [smem:$0x3FFE];
	[sflag:s23] =	ssyncadd.s32 $0xFFFFFFFF  }
0xa5: {  	s26 =	simm.s32 $execute0_lowered;
	[smem:$0x3FD2] =	sst s25  }
0xa6: {  	s5 =	sshll.u32 s26, $0x1;
	_ =	strace $0x8000004C;
	[dreg:$0x1] =	wrdreg $0xFFFFFFFF  }
0xa7: {  	s28 =	simm.s32 $_size_execute0_lowered;
	s3 =	sadd.s32 s3, s5;
	[dreg:$0x0] =	wrdreg $0x0  }
0xa8: {  	s5 =	sshll.u32 s28, $0x1;
	[dreg:$0x2] =	wrdreg s3  }
0xa9: {  	[dreg:$0x3] =	wrdreg s5  }
0xaa: {  	[dreg:$0x4] =	wrdreg $0xC0  }
0xab: {  	_ =	task [dreg:s7], $0x5FFFF  }
0xac: {  	[dreg:$0x1] =	wrdreg $0xFFFFFFFF  }
0xad: {  	[dreg:$0x0] =	wrdreg $0x60  }
0xae: {  	[dreg:$0x2] =	wrdreg s2  }
0xaf: {  	[dreg:$0x3] =	wrdreg s24  }
0xb0: {  	[dreg:$0x4] =	wrdreg $0xBB800  }
0xb1: {  	[dreg:$0x5] =	wrdreg $0x9  }
0xb2: {  	_ =	task.clear_ibuf [dreg:s7], $0x6FFFF;
	_ =	strace $0x9000004C  }
0xb3: {  	s29 =	simm.s32 $0x9;
	_ =	strace $0x8000004E  }
0xb4: {  	_ =	swait.ge [sflag:s29], $0x1  }
0xb5: {  	[sflag:s29] =	ssyncadd.s32 $0xFFFFFFFF  }
0xb6: {  	_ =	strace $0x9000004E  }
0xb7: {  	_ =	sfence  }
0xb8: {  	s30 =	sld [smem:$0x0];
	_ =	sdelay $0x2  }
0xb9: {  	s31 =	sshll.u32 s1, $0xD;
	s1 =	sshrl.u32 s1, $0x2  }
0xba: {  	s3 =	sand.u32 $0x4000, s31;
	s1 =	sadd.s32 s1, s30  }
0xbb: {  	s0 =	sor.u32 s3, s0;
	s1 =	sshll.u32 s1, $0x11  }
0xbc: {  	s0 =	sor.u32 s1, s0  }
0xbd: {  	s0 =	sadd.s32 $0x8F2B, s0  }
0xbe: {  	[sflag:s0] =	ssyncadd.remote.s32 $0x1  }
0xbf: {  	_ =	sfence.sel $0xFFFF  }
0xc0: {  	[dreg:$0x0] =	wrdreg $0xFFFFFFFF;
	(pc) =	sbr.abs _section_cstart, $3  }
0xc1: {  	[dreg:$0x1] =	wrdreg $0xFFFFFFFF  }
0xc2: {  	_ =	task.clear_ibuf [dreg:s7], $0x2FFFF;
	_ =	strace $0x9FFFFFFF  }
0xc3: {  	(tm) =	ssettm $0x7FFFFFFF  }
tec
execute0_lowered:
.L_overlay_start_1:
0x0: {  	(tag) =	ssettag $0x1  }
0x1: {  	s6 =	rddreg [dreg:$0x0]  }
0x2: {  	s7 =	rddreg [dreg:$0x1]  }
0x3: {  	s2 =	rddreg [dreg:$0x2]  }
0x4: {  	s0 =	rddreg [dreg:$0x3]  }
0x5: {  	s4 =	srdreg.scid;
	s1 =	stileid.u32  }
0x6: {  	s3 =	simm.s32 $0x0;
	s14 =	simm.s32 $0x50;
	s15 =	simm.s32 $0x6780  }
0x7: {  	s16 =	simm.s32 $0x8F80;
	s17 =	simm.s32 $0x1;
	s18 =	simm.s32 $0x2  }
0x8: {  	s19 =	simm.s32 $0x6480;
	s20 =	simm.s32 $0x26C0;
	s21 =	simm.s32 $0x6500  }
0x9: {  	s22 =	simm.s32 $0x6580;
	s23 =	simm.s32 $0x0;
	s8 =	sand.u32 $0x1, s4  }
0xa: {  	s29 =	sshll.u32 s1, $0x1;
	[smem:$0x7FF] =	sst s3;
	s11 =	smul.u32 $0x14000, s1  }
0xb: {  	s5 =	sadd.s32 $0x12C00, s7;
	s30 =	smul.u32 $0x50000, s1;
	s9 =	sor.u32 s8, s29  }
0xc: {  	s10 =	smul.u32 $0x140000, s8;
	_ =	strace $0x8000004D;
	s8 =	ssub.s32 $0x2, s8  }
0xd: {  	s4 =	sshll.u32 s9, $0xB;
	s13 =	sshrl.u32 s8, $0x1;
	s9 =	smul.u32 $0x4E2, s9  }
0xe: {  	s31 =	sshrl.u32 s30, $0x2;
	s12 =	sadd.s32 s4, s7;
	s4 =	sadd.s32 $0x39E00, s7  }
0xf: {  	s10 =	sadd.s32 s11, s10;
	s13 =	ssub.s32 s8, s13;
	s8 =	sadd.s32 s31, s2  }
0x10: {  	s11 =	simm.s32 $0x3;
	s10 =	sshrl.u32 s10, $0x3;
	s6 =	sadd.s32 s6, s9  }
0x11: {  	s10 =	sadd.s32 s10, s7;
	s7 =	sadd.s32 $0x2C00, s12;
	s12 =	simm.s32 $0x2780  }
0x12: {  	s9 =	sadd.s32 $0x3A000, s10;
	s10 =	smax.u32 s13, $0x1;
	s13 =	simm.s32 $0xB780  }
.LBB2_1:
0x13: {  	[tilespmem:s3], [sflag:$0x3] =	stream.linear.gather [hbm4b:s6+s3], $0x2710, $0x38;
	[tilespmem:$0x1FB80] =	vst v63  }
0x14: {  	_ =	swait.ge [sflag:s11], $0x2710  }
0x15: {  	[sflag:s11] =	ssyncset.done $0x0  }
0x16: {  	[sflag:s11] =	ssyncadd.s32 $0xFFFFD8F0  }
0x17: {  	[tilespmem:s12], [sflag:$0x3] =	stream.linear.gather [hbm4b:s7+s3], $0x3E80, $0x38;
	[tilespmem:$0x1FB80] =	vst v63  }
0x18: {  	_ =	swait.ge [sflag:s11], $0x3E80  }
0x19: {  	[sflag:s11] =	ssyncset.done $0x0  }
0x1a: {  	[sflag:s11] =	ssyncadd.s32 $0xFFFFC180  }
0x1b: {  	[tilespmem:s13], [sflag:$0x3] =	stream.linear.gather [hbm4b:s4+s3], $0x400, $0x38;
	[tilespmem:$0x1FB80] =	vst v63  }
0x1c: {  	_ =	swait.ge [sflag:s11], $0x400  }
0x1d: {  	[sflag:s11] =	ssyncset.done $0x0  }
0x1e: {  	s24 =	sadd.s32 $0x0, s8;
	[sflag:s11] =	ssyncadd.s32 $0xFFFFFC00  }
0x1f: {  	[spmem:s24] =	stream.linear.scatter [tilespmem:s13], [sflag:$0x3], $0x400, $0x38;
	[tilespmem:$0x1FB80] =	vst v63  }
0x20: {  	s24 =	simm.s32 $0x1000;
	_ =	swait.ge [sflag:s11], $0x400  }
.LBB2_2:
0x21: {  	s25 =	sshra.s32 s24, $0x2;
	[sflag:s11] =	ssyncset.done $0x0;
	p0 =	sne.s32 s24, $0x4F000  }
.Ltmp0:
0x22: {  	s25 =	sadd.s32 s25, s8;
	[sflag:s11] =	ssyncadd.s32 $0xFFFFFC00;
	(pc) =	sbr.rel @p0 .LBB2_2-.Ltmp0, $3  }
0x23: {  	[spmem:s25] =	stream.linear.scatter [tilespmem:s13], [sflag:$0x3], $0x400, $0x38;
	[tilespmem:$0x1FB80] =	vst v63  }
0x24: {  	s24 =	sadd.s32 $0x1000, s24;
	_ =	sdelay $0x1  }
0x25: {  	_ =	swait.ge [sflag:s11], $0x400  }
0x26: {  	[sflag:s11] =	ssyncset.done $0x0  }
0x27: {  	[sflag:s11] =	ssyncadd.s32 $0xFFFFFC00  }
0x28: {  	s24 =	simm.s32 $0x0;
	[bflag:$0x0] =	sbarrier.arrive $0xFFFF  }
0x29: {  	[tilespmem:s15], [sflag:$0x1] =	stream.indirect.gather [hbm4b:s5+s14], $0x80, s24, s14, $0xb8;
	[tilespmem:$0x1FB80] =	vst v63  }
0x2a: {  	_ = 	snop  }
0x2b: {  	[tilespmem:s16], [sflag:$0x2] =	stream.indirect.gather [hbm4b:s5+s14], $0x80, s14, s14, $0xb8;
	[tilespmem:$0x1FB80] =	vst v63  }
0x2c: {  	_ =	swait.ge [sflag:s17], $0x2800  }
0x2d: {  	[sflag:s17] =	ssyncset.done $0x0  }
0x2e: {  	s29 =	simm.s32 $0x2780;
	[sflag:s17] =	ssyncadd.s32 $0xFFFFD800  }
0x2f: {  	[spmem:s2] =	stream.indirect.scatter.add.f32 [tilespmem:s15], [sflag:$0x3], $0x80, s29, s14, $0xb8;
	[tilespmem:$0x1FB80] =	vst v63  }
0x30: {  	_ =	swait.ge [sflag:s11], $0x2800  }
0x31: {  	[sflag:s11] =	ssyncset.done $0x0  }
0x32: {  	s30 =	simm.s32 $0xA0;
	[sflag:s11] =	ssyncadd.s32 $0xFFFFD800  }
0x33: {  	[tilespmem:s15], [sflag:$0x1] =	stream.indirect.gather [hbm4b:s5+s14], $0x80, s30, s14, $0xb8;
	[tilespmem:$0x1FB80] =	vst v63  }
0x34: {  	_ =	swait.ge [sflag:s18], $0x2800  }
0x35: {  	[sflag:s18] =	ssyncset.done $0x0  }
0x36: {  	s31 =	simm.s32 $0x2800;
	[sflag:s18] =	ssyncadd.s32 $0xFFFFD800  }
0x37: {  	[spmem:s2] =	stream.indirect.scatter.add.f32 [tilespmem:s16], [sflag:$0x3], $0x80, s31, s14, $0xb8;
	[tilespmem:$0x1FB80] =	vst v63  }
0x38: {  	_ =	swait.ge [sflag:s11], $0x2800  }
0x39: {  	s25 =	simm.s32 $0x400;
	[sflag:s11] =	ssyncset.done $0x0  }
0x3a: {  	s26 =	simm.s32 $0x190;
	s24 =	simm.s32 $0xF0;
	[sflag:s11] =	ssyncadd.s32 $0xFFFFD800  }
.LBB2_4:
0x3b: {  	[tilespmem:s16], [sflag:$0x2] =	stream.indirect.gather [hbm4b:s5+s14], $0x80, s24, s14, $0xb8;
	[tilespmem:$0x1FB80] =	vst v63  }
0x3c: {  	s28 =	smov.u32 s25;
	s24 =	smov.u32 s26  }
0x3d: {  	p0 =	sne.s32 s25, $0xF000;
	s25 =	sadd.s32 $0x400, s25;
	_ =	swait.ge [sflag:s17], $0x2800  }
0x3e: {  	s28 =	sshra.s32 s28, $0x2;
	[sflag:s17] =	ssyncset.done $0x0  }
0x3f: {  	s29 =	sadd.s32 $0x2780, s28;
	[sflag:s17] =	ssyncadd.s32 $0xFFFFD800  }
0x40: {  	[spmem:s2] =	stream.indirect.scatter.add.f32 [tilespmem:s15], [sflag:$0x3], $0x80, s29, s14, $0xb8;
	[tilespmem:$0x1FB80] =	vst v63  }
0x41: {  	_ =	swait.ge [sflag:s11], $0x2800  }
0x42: {  	[sflag:s11] =	ssyncset.done $0x0  }
0x43: {  	s29 =	sadd.s32 $0xFFFFFFB0, s26;
	[sflag:s11] =	ssyncadd.s32 $0xFFFFD800  }
0x44: {  	[tilespmem:s15], [sflag:$0x1] =	stream.indirect.gather [hbm4b:s5+s14], $0x80, s29, s14, $0xb8;
	[tilespmem:$0x1FB80] =	vst v63  }
0x45: {  	_ =	swait.ge [sflag:s18], $0x2800  }
0x46: {  	[sflag:s18] =	ssyncset.done $0x0  }
.Ltmp1:
0x47: {  	s28 =	sadd.s32 $0x2800, s28;
	[sflag:s18] =	ssyncadd.s32 $0xFFFFD800;
	(pc) =	sbr.rel @p0 .LBB2_4-.Ltmp1, $4  }
0x48: {  	[spmem:s2] =	stream.indirect.scatter.add.f32 [tilespmem:s16], [sflag:$0x3], $0x80, s28, s14, $0xb8;
	[tilespmem:$0x1FB80] =	vst v63  }
0x49: {  	_ =	swait.ge [sflag:s11], $0x2800  }
0x4a: {  	[sflag:s11] =	ssyncset.done $0x0  }
0x4b: {  	s26 =	sadd.s32 $0xA0, s26;
	[sflag:s11] =	ssyncadd.s32 $0xFFFFD800  }
0x4c: {  	[tilespmem:s16], [sflag:$0x2] =	stream.indirect.gather [hbm4b:s5+s14], $0x80, s24, s14, $0xb8;
	[tilespmem:$0x1FB80] =	vst v63  }
0x4d: {  	_ =	swait.ge [sflag:s17], $0x2800  }
0x4e: {  	[sflag:s17] =	ssyncset.done $0x0  }
0x4f: {  	[sflag:s17] =	ssyncadd.s32 $0xFFFFD800  }
0x50: {  	[spmem:s2] =	stream.indirect.scatter.add.f32 [tilespmem:s15], [sflag:$0x3], $0x80, s19, s14, $0xb8;
	[tilespmem:$0x1FB80] =	vst v63  }
0x51: {  	_ =	swait.ge [sflag:s11], $0x2800  }
0x52: {  	[sflag:s11] =	ssyncset.done $0x0  }
0x53: {  	[sflag:s11] =	ssyncadd.s32 $0xFFFFD800  }
0x54: {  	[tilespmem:s15], [sflag:$0x1] =	stream.indirect.gather [hbm4b:s5+s14], $0x80, s20, s14, $0xb8;
	[tilespmem:$0x1FB80] =	vst v63  }
0x55: {  	_ =	swait.ge [sflag:s18], $0x2800  }
0x56: {  	[sflag:s18] =	ssyncset.done $0x0  }
0x57: {  	[sflag:s18] =	ssyncadd.s32 $0xFFFFD800  }
0x58: {  	[spmem:s2] =	stream.indirect.scatter.add.f32 [tilespmem:s16], [sflag:$0x3], $0x80, s21, s14, $0xb8;
	[tilespmem:$0x1FB80] =	vst v63  }
0x59: {  	_ =	swait.ge [sflag:s11], $0x2800  }
0x5a: {  	[sflag:s11] =	ssyncset.done $0x0  }
0x5b: {  	[sflag:s11] =	ssyncadd.s32 $0xFFFFD800  }
0x5c: {  	_ =	swait.ge [sflag:s17], $0x2800  }
0x5d: {  	[sflag:s17] =	ssyncset.done $0x0  }
0x5e: {  	[sflag:s17] =	ssyncadd.s32 $0xFFFFD800  }
0x5f: {  	[spmem:s2] =	stream.indirect.scatter.add.f32 [tilespmem:s15], [sflag:$0x3], $0x80, s22, s14, $0xb8;
	[tilespmem:$0x1FB80] =	vst v63  }
0x60: {  	_ =	swait.ge [sflag:s11], $0x2800  }
0x61: {  	s31 =	sshll.u32 s1, $0x6;
	s23 =	sadd.s32 $0x1, s23;
	[sflag:s11] =	ssyncset.done $0x0  }
0x62: {  	s25 =	sshrl.u32 s8, $0x3;
	p0 =	sne.s32 s23, s10;
	[sflag:s11] =	ssyncadd.s32 $0xFFFFD800  }
.Ltmp2:
0x63: {  	s24 =	sor.u32 $0x1C03, s31;
	[bflag:$0x0] =	sbarrier.arrive $0xFFFF;
	(pc) =	sbr.rel @p0 .LBB2_1-.Ltmp2, $4  }
0x64: {  	[hbm:s9], [sflag:s24] =	dma.local [spmem:s25], $0x2800  }
0x65: {  	_ =	swait.ge [sflag:s11], $0x2800  }
0x66: {  	[sflag:s11] =	ssyncset.done $0x0  }
0x67: {  	[sflag:s11] =	ssyncadd.s32 $0xFFFFD800  }
0x68: {  	_ =	sfence.sel $0x180000  }
0x69: {  	[bflag:$0x0] =	sbarrier.arrive $0xFFFF  }
0x6a: {  	p0 =	sne.s32 s1, $0x0;
	_ =	strace $0x9000004D  }
0x6b: {  	s0 =	sadd.s32 @!p0 $0x100000, s0;
	[bflag:$0x2] =	sbarrier.arrive $0xFFFF  }
0x6c: {  	[sflag:s0] =	ssyncadd.tile.s32 @!p0 $0x1;
	_ =	shalt  }
.Lfunc_end2:
_tile_overlayer_lowered:
.L_overlay_start_2:
0x6d: {  	(tag) =	ssettag $0x2  }
0x6e: {  	s0 =	rddreg [dreg:$0x0];
	s2 =	stileid.u32  }
0x6f: {  	s1 =	rddreg [dreg:$0x1];
	p0 =	sne.s32 s2, $0x0  }
0x70: {  	s3 =	rddreg [dreg:$0x2];
	[bflag:$0x3] =	sbarrier.arrive $0xFFFF;
	s2 =	simm.s32 @!p0 $0x1C03  }
0x71: {  	[timem:s3], [sflag:s2] =	dma.local @!p0 [hbm:s0], s1  }
0x72: {  	s0 =	simm.s32 @!p0 $0x3  }
0x73: {  	_ =	swait.ge @!p0 [sflag:s0], s1  }
0x74: {  	s1 =	ssub.s32 @!p0 $0x0, s1;
	[sflag:s0] =	ssyncset.done @!p0 $0x0  }
0x75: {  	[sflag:s0] =	ssyncadd.s32 @!p0 s1  }
0x76: {  	[bflag:$0x3] =	sbarrier.arrive $0xFFFF  }
0x77: {  	_ =	shalt  }

// kernel: _impl.19.cloned.1.call-start
scs
__scs_entry_jumppad:
0x0: {  	(pc) =	sbr.rel $0x88, $3  }
0x1: {  	(tag) =	ssettag $0x0;
	lr =	simm.s32 $0x1  }
0x2: {  	[smem:$0x3F95] =	sst lr;
	_ =	strace $0xD0000000  }
0x3: {  	_ = 	snop  }
0x4: {  	_ = 	snop  }
0x5: {  	_ = 	snop  }
0x6: {  	_ = 	snop  }
0x7: {  	_ = 	snop  }
__scs_overlays_trampoline_lowered:
0x8: {  	[smem:$0x3FA4] =	sst s0  }
0x9: {  	[smem:$0x3FA5] =	sst s1  }
0xa: {  	[smem:$0x3FA6] =	sst s2  }
0xb: {  	[smem:$0x3FA7] =	sst s3  }
0xc: {  	[smem:$0x3FA8] =	sst s4  }
0xd: {  	[smem:$0x3FA9] =	sst s5  }
0xe: {  	[smem:$0x3FAA] =	sst s6  }
0xf: {  	[smem:$0x3FAB] =	sst s7  }
0x10: {  	[smem:$0x3FAC] =	sst s8  }
0x11: {  	[smem:$0x3FAD] =	sst s9;
	s0 =	simm.s32 @!p0 $0x0  }
0x12: {  	s1 =	sld [smem:$0x3F93];
	s0 =	simm.s32 @p0 $0x1  }
0x13: {  	[smem:$0x3FAE] =	sst s0;
	s0 =	simm.s32 @!p1 $0x0  }
0x14: {  	s2 =	sld [smem:$0x3F92];
	s0 =	simm.s32 @p1 $0x1  }
0x15: {  	[smem:$0x3FAF] =	sst s0;
	s0 =	simm.s32 @!p2 $0x0  }
0x16: {  	s3 =	sld [smem:$0x3FDB];
	s0 =	simm.s32 @p2 $0x1  }
0x17: {  	s4 =	simm.s32 $0x1BF5;
	[smem:$0x3FB1] =	sst s0  }
0x18: {  	s0 =	sld [smem:$0x3F94];
	_ =	swait.ge [sflag:s4], $0x0  }
0x19: {  	s7 =	sld [smem:$0x3F95]  }
0x1a: {  	s8 =	sadd.s32 $0xFFFFE003, lr  }
0x1b: {  	s9 =	sadd.s32 $0xFFFFFEF7, lr;
	s5 =	simm.s32 $0xFFFFFFFF;
	p2 =	slt.u32 s8, $0xFFFFF086  }
0x1c: {  	p1 =	slt.u32 s9, $0xF7A;
	s5 =	simm.s32 @!p2 $0x0  }
0x1d: {  	s5 =	simm.s32 @p1 $0x1;
	p0 =	seq.s32 s7, s2  }
0x1e: {  	s7 =	smul.u32 @!p0 $0xF7A, s2;
	p2 =	seq.s32 @!p0 s5, $0x0  }
0x1f: {  	s9 =	smul.u32 $0xF7A, s1;
	s8 =	simm.s32 @!p0 $0x1BF5;
	p2 =	por !p2, p0  }
0x20: {  	[sflag:s8] =	ssyncset.s32 @!p0 $0xFFFFF086;
	s6 =	sadd.s32 @!p0 s3, s7;
	s7 =	simm.s32 @!p0 $0x108  }
0x21: {  	s3 =	sadd.s32 s3, s9;
	s6 =	sadd.s32 @!p0 $0x88, s6;
	s7 =	simm.s32 @p2 $0x1082  }
0x22: {  	[simem:s7], [sflag:s8] =	dma.local @!p0 [hbm:s6], $0xF7A  }
0x23: {  	s9 =	sor.u32 $0xD0000000, s2;
	s6 =	simm.s32 $0x108;
	_ =	swait.ge @!p0 [sflag:s8], $0x0  }
0x24: {  	s3 =	sadd.s32 $0x88, s3;
	s6 =	simm.s32 @!p1 $0x1082;
	[sflag:s4] =	ssyncset.s32 $0xFFFFF086  }
0x25: {  	[simem:s6], [sflag:s4] =	dma.local [hbm:s3], $0xF7A  }
0x26: {  	[smem:$0x3F95] =	sst s1;
	(tag) =	ssettag s2;
	_ =	strace s9  }
0x27: {  	s1 =	sld [smem:$0x3FA5]  }
0x28: {  	s2 =	sld [smem:$0x3FA6]  }
0x29: {  	s4 =	sld [smem:$0x3FA8]  }
0x2a: {  	p0 =	seq.s32 s5, $0x0;
	s5 =	sld [smem:$0x3FA9]  }
0x2b: {  	s6 =	sld [smem:$0x3FAA]  }
0x2c: {  	s7 =	sld [smem:$0x3FAB]  }
0x2d: {  	s3 =	simm.s32 $0x108;
	s8 =	sld [smem:$0x3FAC]  }
0x2e: {  	s3 =	simm.s32 @!p0 $0x1082;
	s9 =	sld [smem:$0x3FAD]  }
0x2f: {  	lr =	sadd.s32 s0, s3;
	s0 =	sld [smem:$0x3FA4]  }
0x30: {  	s3 =	sld [smem:$0x3FA7]  }
0x31: {  	[smem:$0x3FB0] =	sst s10  }
0x32: {  	s10 =	sld [smem:$0x3FAE];
	_ =	sdelay $0x3  }
0x33: {  	p0 =	seq.s32 s10, $0x1;
	s10 =	sld [smem:$0x3FB0];
	_ =	sdelay $0x3  }
0x34: {  	[smem:$0x3FB0] =	sst s10  }
0x35: {  	s10 =	sld [smem:$0x3FAF];
	_ =	sdelay $0x3  }
0x36: {  	p1 =	seq.s32 s10, $0x1;
	s10 =	sld [smem:$0x3FB0];
	_ =	sdelay $0x3  }
0x37: {  	[smem:$0x3FB0] =	sst s10  }
0x38: {  	s10 =	sld [smem:$0x3FB1]  }
0x39: {  	_ = 	snop;
	(pc) =	sbr.ind lr, $3  }
0x3a: {  	_ = 	snop  }
0x3b: {  	_ = 	snop  }
0x3c: {  	p2 =	seq.s32 s10, $0x1;
	s10 =	sld [smem:$0x3FB0]  }
0x3d: {  	_ =	shalt  }
0x3e: {  	_ =	shalt  }
0x3f: {  	_ =	shalt  }
0x40: {  	_ =	shalt  }
0x41: {  	_ =	shalt  }
0x42: {  	_ =	shalt  }
0x43: {  	_ =	shalt  }
0x44: {  	_ =	shalt  }
0x45: {  	_ =	shalt  }
0x46: {  	_ =	shalt  }
0x47: {  	_ =	shalt  }
0x48: {  	_ =	shalt  }
0x49: {  	_ =	shalt  }
0x4a: {  	_ =	shalt  }
0x4b: {  	_ =	shalt  }
0x4c: {  	_ =	shalt  }
0x4d: {  	_ =	shalt  }
0x4e: {  	_ =	shalt  }
0x4f: {  	_ =	shalt  }
0x50: {  	_ =	shalt  }
0x51: {  	_ =	shalt  }
0x52: {  	_ =	shalt  }
0x53: {  	_ =	shalt  }
0x54: {  	_ =	shalt  }
0x55: {  	_ =	shalt  }
0x56: {  	_ =	shalt  }
0x57: {  	_ =	shalt  }
0x58: {  	_ =	shalt  }
0x59: {  	_ =	shalt  }
0x5a: {  	_ =	shalt  }
0x5b: {  	_ =	shalt  }
0x5c: {  	_ =	shalt  }
0x5d: {  	_ =	shalt  }
0x5e: {  	_ =	shalt  }
0x5f: {  	_ =	shalt  }
0x60: {  	_ =	shalt  }
0x61: {  	_ =	shalt  }
0x62: {  	_ =	shalt  }
0x63: {  	_ =	shalt  }
0x64: {  	_ =	shalt  }
0x65: {  	_ =	shalt  }
0x66: {  	_ =	shalt  }
0x67: {  	_ =	shalt  }
0x68: {  	_ =	shalt  }
0x69: {  	_ =	shalt  }
0x6a: {  	_ =	shalt  }
0x6b: {  	_ =	shalt  }
0x6c: {  	_ =	shalt  }
0x6d: {  	_ =	shalt  }
0x6e: {  	_ =	shalt  }
0x6f: {  	_ =	shalt  }
0x70: {  	_ =	shalt  }
0x71: {  	_ =	shalt  }
0x72: {  	_ =	shalt  }
0x73: {  	_ =	shalt  }
0x74: {  	_ =	shalt  }
0x75: {  	_ =	shalt  }
0x76: {  	_ =	shalt  }
0x77: {  	_ =	shalt  }
0x78: {  	_ =	shalt  }
0x79: {  	_ =	shalt  }
0x7a: {  	_ =	shalt  }
0x7b: {  	_ =	shalt  }
0x7c: {  	_ =	shalt  }
0x7d: {  	_ =	shalt  }
0x7e: {  	_ =	shalt  }
0x7f: {  	_ =	shalt  }
0x80: {  	_ =	shalt  }
0x81: {  	_ =	shalt  }
0x82: {  	_ =	shalt  }
0x83: {  	_ =	shalt  }
0x84: {  	_ =	shalt  }
0x85: {  	_ =	shalt  }
0x86: {  	_ =	shalt  }
0x87: {  	_ =	shalt  }
.Lfunc_end0:
.L_simem_size_0:
called_computation.3_lowered:
.L_overlay_start_0:
0x88: {  	s2 =	sld [smem:$0x3FD9]  }
0x89: {  	s3 =	sld [smem:$0x3FFE];
	_ =	sdelay $0x1  }
0x8a: {  	s1 =	srdreg.scid  }
0x8b: {  	s0 =	sand.u32 $0x1, s1  }
0x8c: {  	s17 =	sshll.u32 s0, $0xA;
	s2 =	sadd.s32 s3, s2  }
0x8d: {  	s2 =	sadd.s32 s2, s17  }
0x8e: {  	[smem:$0x3FBC] =	sst s2  }
0x8f: {  	_ = 	snop  }
0x90: {  	s2 =	sld [smem:$0x3FD0];
	(tm) =	ssettm $0x1  }
0x91: {  	s18 =	sld [smem:$0x3FFB];
	_ =	sdelay $0x3  }
0x92: {  	_ =	strace s18  }
0x93: {  	s3 =	sld [smem:$0x3FFC];
	_ =	sdelay $0x3  }
0x94: {  	_ =	strace s3  }
0x95: {  	s3 =	sld [smem:$0x3FFD];
	_ =	sdelay $0x3  }
0x96: {  	_ =	strace s3  }
0x97: {  	_ =	strace $0x8FFFFFFF  }
0x98: {  	s19 =	sld [smem:$0x3FDB];
	_ =	sdelay $0x1  }
0x99: {  	s4 =	simm.s32 $_scs_section_size  }
0x9a: {  	s5 =	simm.s32 $_size__tile_overlayer_lowered;
	s6 =	simm.s32 $_tile_overlayer_lowered  }
0x9b: {  	s22 =	simm.s32 $0x1BFF;
	s21 =	sshll.u32 s6, $0x1;
	s3 =	sadd.s32 s4, s19  }
0x9c: {  	s7 =	simm.s32 $0x0;
	s20 =	sshll.u32 s5, $0x1;
	s5 =	sadd.s32 s21, s3  }
0x9d: {  	[timem:s7], [sflag:s22] =	dma.local [hbm:s5], s20  }
0x9e: {  	_ =	swait.ge [sflag:s22], s20  }
0x9f: {  	s4 =	ssub.s32 $0x0, s20;
	[sflag:s22] =	ssyncset.done $0x0  }
0xa0: {  	[sflag:s22] =	ssyncadd.s32 s4;
	_ =	sdelay $0x1  }
0xa1: {  	s23 =	simm.s32 $0x1B8B  }
0xa2: {  	_ =	swait.ge [sflag:s23], $0x1  }
0xa3: {  	[sflag:s23] =	ssyncset.done $0x0  }
0xa4: {  	s25 =	simm.s32 $0x1B8E;
	s24 =	sld [smem:$0x3FFE];
	[sflag:s23] =	ssyncadd.s32 $0xFFFFFFFF  }
0xa5: {  	s26 =	simm.s32 $execute0_lowered;
	[smem:$0x3FD2] =	sst s25  }
0xa6: {  	s5 =	sshll.u32 s26, $0x1;
	_ =	strace $0x8000004F;
	[dreg:$0x1] =	wrdreg $0xFFFFFFFF  }
0xa7: {  	s28 =	simm.s32 $_size_execute0_lowered;
	s3 =	sadd.s32 s3, s5;
	[dreg:$0x0] =	wrdreg $0x0  }
0xa8: {  	s5 =	sshll.u32 s28, $0x1;
	[dreg:$0x2] =	wrdreg s3  }
0xa9: {  	[dreg:$0x3] =	wrdreg s5  }
0xaa: {  	[dreg:$0x4] =	wrdreg $0xC0  }
0xab: {  	_ =	task [dreg:s7], $0x5FFFF  }
0xac: {  	[dreg:$0x1] =	wrdreg $0xFFFFFFFF  }
0xad: {  	[dreg:$0x0] =	wrdreg $0x60  }
0xae: {  	[dreg:$0x2] =	wrdreg s2  }
0xaf: {  	[dreg:$0x3] =	wrdreg s24  }
0xb0: {  	[dreg:$0x4] =	wrdreg $0xBB800  }
0xb1: {  	[dreg:$0x5] =	wrdreg $0x9  }
0xb2: {  	_ =	task.clear_ibuf [dreg:s7], $0x6FFFF;
	_ =	strace $0x9000004F  }
0xb3: {  	s29 =	simm.s32 $0x9;
	_ =	strace $0x80000051  }
0xb4: {  	_ =	swait.ge [sflag:s29], $0x1  }
0xb5: {  	[sflag:s29] =	ssyncadd.s32 $0xFFFFFFFF  }
0xb6: {  	_ =	strace $0x90000051  }
0xb7: {  	_ =	sfence  }
0xb8: {  	s30 =	sld [smem:$0x0];
	_ =	sdelay $0x2  }
0xb9: {  	s31 =	sshll.u32 s1, $0xD;
	s1 =	sshrl.u32 s1, $0x2  }
0xba: {  	s3 =	sand.u32 $0x4000, s31;
	s1 =	sadd.s32 s1, s30  }
0xbb: {  	s0 =	sor.u32 s3, s0;
	s1 =	sshll.u32 s1, $0x11  }
0xbc: {  	s0 =	sor.u32 s1, s0  }
0xbd: {  	s0 =	sadd.s32 $0x8F2B, s0  }
0xbe: {  	[sflag:s0] =	ssyncadd.remote.s32 $0x1  }
0xbf: {  	_ =	sfence.sel $0xFFFF  }
0xc0: {  	[dreg:$0x0] =	wrdreg $0xFFFFFFFF;
	(pc) =	sbr.abs _section_cstart, $3  }
0xc1: {  	[dreg:$0x1] =	wrdreg $0xFFFFFFFF  }
0xc2: {  	_ =	task.clear_ibuf [dreg:s7], $0x2FFFF;
	_ =	strace $0x9FFFFFFF  }
0xc3: {  	(tm) =	ssettm $0x7FFFFFFF  }
tec
execute0_lowered:
.L_overlay_start_1:
0x0: {  	(tag) =	ssettag $0x1  }
0x1: {  	s6 =	rddreg [dreg:$0x0]  }
0x2: {  	s7 =	rddreg [dreg:$0x1]  }
0x3: {  	s2 =	rddreg [dreg:$0x2]  }
0x4: {  	s0 =	rddreg [dreg:$0x3]  }
0x5: {  	s4 =	srdreg.scid;
	s1 =	stileid.u32  }
0x6: {  	s3 =	simm.s32 $0x0;
	s14 =	simm.s32 $0x50;
	s15 =	simm.s32 $0x6780  }
0x7: {  	s16 =	simm.s32 $0x8F80;
	s17 =	simm.s32 $0x1;
	s18 =	simm.s32 $0x2  }
0x8: {  	s19 =	simm.s32 $0x6480;
	s20 =	simm.s32 $0x26C0;
	s21 =	simm.s32 $0x6500  }
0x9: {  	s22 =	simm.s32 $0x6580;
	s23 =	simm.s32 $0x0;
	s8 =	sand.u32 $0x1, s4  }
0xa: {  	s29 =	sshll.u32 s1, $0x1;
	[smem:$0x7FF] =	sst s3;
	s11 =	smul.u32 $0x14000, s1  }
0xb: {  	s5 =	sadd.s32 $0x12C00, s7;
	s30 =	smul.u32 $0x50000, s1;
	s9 =	sor.u32 s8, s29  }
0xc: {  	s10 =	smul.u32 $0x140000, s8;
	_ =	strace $0x80000050;
	s8 =	ssub.s32 $0x2, s8  }
0xd: {  	s4 =	sshll.u32 s9, $0xB;
	s13 =	sshrl.u32 s8, $0x1;
	s9 =	smul.u32 $0x4E2, s9  }
0xe: {  	s31 =	sshrl.u32 s30, $0x2;
	s12 =	sadd.s32 s4, s7;
	s4 =	sadd.s32 $0x39E00, s7  }
0xf: {  	s10 =	sadd.s32 s11, s10;
	s13 =	ssub.s32 s8, s13;
	s8 =	sadd.s32 s31, s2  }
0x10: {  	s11 =	simm.s32 $0x3;
	s10 =	sshrl.u32 s10, $0x3;
	s6 =	sadd.s32 s6, s9  }
0x11: {  	s10 =	sadd.s32 s10, s7;
	s7 =	sadd.s32 $0x2C00, s12;
	s12 =	simm.s32 $0x2780  }
0x12: {  	s9 =	sadd.s32 $0x3A000, s10;
	s10 =	smax.u32 s13, $0x1;
	s13 =	simm.s32 $0xB780  }
.LBB2_1:
0x13: {  	[tilespmem:s3], [sflag:$0x3] =	stream.linear.gather [hbm4b:s6+s3], $0x2710, $0x38;
	[tilespmem:$0x1FB80] =	vst v63  }
0x14: {  	_ =	swait.ge [sflag:s11], $0x2710  }
0x15: {  	[sflag:s11] =	ssyncset.done $0x0  }
0x16: {  	[sflag:s11] =	ssyncadd.s32 $0xFFFFD8F0  }
0x17: {  	[tilespmem:s12], [sflag:$0x3] =	stream.linear.gather [hbm4b:s7+s3], $0x3E80, $0x38;
	[tilespmem:$0x1FB80] =	vst v63  }
0x18: {  	_ =	swait.ge [sflag:s11], $0x3E80  }
0x19: {  	[sflag:s11] =	ssyncset.done $0x0  }
0x1a: {  	[sflag:s11] =	ssyncadd.s32 $0xFFFFC180  }
0x1b: {  	[tilespmem:s13], [sflag:$0x3] =	stream.linear.gather [hbm4b:s4+s3], $0x400, $0x38;
	[tilespmem:$0x1FB80] =	vst v63  }
0x1c: {  	_ =	swait.ge [sflag:s11], $0x400  }
0x1d: {  	[sflag:s11] =	ssyncset.done $0x0  }
0x1e: {  	s24 =	sadd.s32 $0x0, s8;
	[sflag:s11] =	ssyncadd.s32 $0xFFFFFC00  }
0x1f: {  	[spmem:s24] =	stream.linear.scatter [tilespmem:s13], [sflag:$0x3], $0x400, $0x38;
	[tilespmem:$0x1FB80] =	vst v63  }
0x20: {  	s24 =	simm.s32 $0x1000;
	_ =	swait.ge [sflag:s11], $0x400  }
.LBB2_2:
0x21: {  	s25 =	sshra.s32 s24, $0x2;
	[sflag:s11] =	ssyncset.done $0x0;
	p0 =	sne.s32 s24, $0x4F000  }
.Ltmp0:
0x22: {  	s25 =	sadd.s32 s25, s8;
	[sflag:s11] =	ssyncadd.s32 $0xFFFFFC00;
	(pc) =	sbr.rel @p0 .LBB2_2-.Ltmp0, $3  }
0x23: {  	[spmem:s25] =	stream.linear.scatter [tilespmem:s13], [sflag:$0x3], $0x400, $0x38;
	[tilespmem:$0x1FB80] =	vst v63  }
0x24: {  	s24 =	sadd.s32 $0x1000, s24;
	_ =	sdelay $0x1  }
0x25: {  	_ =	swait.ge [sflag:s11], $0x400  }
0x26: {  	[sflag:s11] =	ssyncset.done $0x0  }
0x27: {  	[sflag:s11] =	ssyncadd.s32 $0xFFFFFC00  }
0x28: {  	s24 =	simm.s32 $0x0;
	[bflag:$0x0] =	sbarrier.arrive $0xFFFF  }
0x29: {  	[tilespmem:s15], [sflag:$0x1] =	stream.indirect.gather [hbm4b:s5+s14], $0x80, s24, s14, $0xb8;
	[tilespmem:$0x1FB80] =	vst v63  }
0x2a: {  	_ = 	snop  }
0x2b: {  	[tilespmem:s16], [sflag:$0x2] =	stream.indirect.gather [hbm4b:s5+s14], $0x80, s14, s14, $0xb8;
	[tilespmem:$0x1FB80] =	vst v63  }
0x2c: {  	_ =	swait.ge [sflag:s17], $0x2800  }
0x2d: {  	[sflag:s17] =	ssyncset.done $0x0  }
0x2e: {  	s29 =	simm.s32 $0x2780;
	[sflag:s17] =	ssyncadd.s32 $0xFFFFD800  }
0x2f: {  	[spmem:s2] =	stream.indirect.scatter.add.f32 [tilespmem:s15], [sflag:$0x3], $0x80, s29, s14, $0xb8;
	[tilespmem:$0x1FB80] =	vst v63  }
0x30: {  	_ =	swait.ge [sflag:s11], $0x2800  }
0x31: {  	[sflag:s11] =	ssyncset.done $0x0  }
0x32: {  	s30 =	simm.s32 $0xA0;
	[sflag:s11] =	ssyncadd.s32 $0xFFFFD800  }
0x33: {  	[tilespmem:s15], [sflag:$0x1] =	stream.indirect.gather [hbm4b:s5+s14], $0x80, s30, s14, $0xb8;
	[tilespmem:$0x1FB80] =	vst v63  }
0x34: {  	_ =	swait.ge [sflag:s18], $0x2800  }
0x35: {  	[sflag:s18] =	ssyncset.done $0x0  }
0x36: {  	s31 =	simm.s32 $0x2800;
	[sflag:s18] =	ssyncadd.s32 $0xFFFFD800  }
0x37: {  	[spmem:s2] =	stream.indirect.scatter.add.f32 [tilespmem:s16], [sflag:$0x3], $0x80, s31, s14, $0xb8;
	[tilespmem:$0x1FB80] =	vst v63  }
0x38: {  	_ =	swait.ge [sflag:s11], $0x2800  }
0x39: {  	s25 =	simm.s32 $0x400;
	[sflag:s11] =	ssyncset.done $0x0  }
0x3a: {  	s26 =	simm.s32 $0x190;
	s24 =	simm.s32 $0xF0;
	[sflag:s11] =	ssyncadd.s32 $0xFFFFD800  }
.LBB2_4:
0x3b: {  	[tilespmem:s16], [sflag:$0x2] =	stream.indirect.gather [hbm4b:s5+s14], $0x80, s24, s14, $0xb8;
	[tilespmem:$0x1FB80] =	vst v63  }
0x3c: {  	s28 =	smov.u32 s25;
	s24 =	smov.u32 s26  }
0x3d: {  	p0 =	sne.s32 s25, $0xF000;
	s25 =	sadd.s32 $0x400, s25;
	_ =	swait.ge [sflag:s17], $0x2800  }
0x3e: {  	s28 =	sshra.s32 s28, $0x2;
	[sflag:s17] =	ssyncset.done $0x0  }
0x3f: {  	s29 =	sadd.s32 $0x2780, s28;
	[sflag:s17] =	ssyncadd.s32 $0xFFFFD800  }
0x40: {  	[spmem:s2] =	stream.indirect.scatter.add.f32 [tilespmem:s15], [sflag:$0x3], $0x80, s29, s14, $0xb8;
	[tilespmem:$0x1FB80] =	vst v63  }
0x41: {  	_ =	swait.ge [sflag:s11], $0x2800  }
0x42: {  	[sflag:s11] =	ssyncset.done $0x0  }
0x43: {  	s29 =	sadd.s32 $0xFFFFFFB0, s26;
	[sflag:s11] =	ssyncadd.s32 $0xFFFFD800  }
0x44: {  	[tilespmem:s15], [sflag:$0x1] =	stream.indirect.gather [hbm4b:s5+s14], $0x80, s29, s14, $0xb8;
	[tilespmem:$0x1FB80] =	vst v63  }
0x45: {  	_ =	swait.ge [sflag:s18], $0x2800  }
0x46: {  	[sflag:s18] =	ssyncset.done $0x0  }
.Ltmp1:
0x47: {  	s28 =	sadd.s32 $0x2800, s28;
	[sflag:s18] =	ssyncadd.s32 $0xFFFFD800;
	(pc) =	sbr.rel @p0 .LBB2_4-.Ltmp1, $4  }
0x48: {  	[spmem:s2] =	stream.indirect.scatter.add.f32 [tilespmem:s16], [sflag:$0x3], $0x80, s28, s14, $0xb8;
	[tilespmem:$0x1FB80] =	vst v63  }
0x49: {  	_ =	swait.ge [sflag:s11], $0x2800  }
0x4a: {  	[sflag:s11] =	ssyncset.done $0x0  }
0x4b: {  	s26 =	sadd.s32 $0xA0, s26;
	[sflag:s11] =	ssyncadd.s32 $0xFFFFD800  }
0x4c: {  	[tilespmem:s16], [sflag:$0x2] =	stream.indirect.gather [hbm4b:s5+s14], $0x80, s24, s14, $0xb8;
	[tilespmem:$0x1FB80] =	vst v63  }
0x4d: {  	_ =	swait.ge [sflag:s17], $0x2800  }
0x4e: {  	[sflag:s17] =	ssyncset.done $0x0  }
0x4f: {  	[sflag:s17] =	ssyncadd.s32 $0xFFFFD800  }
0x50: {  	[spmem:s2] =	stream.indirect.scatter.add.f32 [tilespmem:s15], [sflag:$0x3], $0x80, s19, s14, $0xb8;
	[tilespmem:$0x1FB80] =	vst v63  }
0x51: {  	_ =	swait.ge [sflag:s11], $0x2800  }
0x52: {  	[sflag:s11] =	ssyncset.done $0x0  }
0x53: {  	[sflag:s11] =	ssyncadd.s32 $0xFFFFD800  }
0x54: {  	[tilespmem:s15], [sflag:$0x1] =	stream.indirect.gather [hbm4b:s5+s14], $0x80, s20, s14, $0xb8;
	[tilespmem:$0x1FB80] =	vst v63  }
0x55: {  	_ =	swait.ge [sflag:s18], $0x2800  }
0x56: {  	[sflag:s18] =	ssyncset.done $0x0  }
0x57: {  	[sflag:s18] =	ssyncadd.s32 $0xFFFFD800  }
0x58: {  	[spmem:s2] =	stream.indirect.scatter.add.f32 [tilespmem:s16], [sflag:$0x3], $0x80, s21, s14, $0xb8;
	[tilespmem:$0x1FB80] =	vst v63  }
0x59: {  	_ =	swait.ge [sflag:s11], $0x2800  }
0x5a: {  	[sflag:s11] =	ssyncset.done $0x0  }
0x5b: {  	[sflag:s11] =	ssyncadd.s32 $0xFFFFD800  }
0x5c: {  	_ =	swait.ge [sflag:s17], $0x2800  }
0x5d: {  	[sflag:s17] =	ssyncset.done $0x0  }
0x5e: {  	[sflag:s17] =	ssyncadd.s32 $0xFFFFD800  }
0x5f: {  	[spmem:s2] =	stream.indirect.scatter.add.f32 [tilespmem:s15], [sflag:$0x3], $0x80, s22, s14, $0xb8;
	[tilespmem:$0x1FB80] =	vst v63  }
0x60: {  	_ =	swait.ge [sflag:s11], $0x2800  }
0x61: {  	s31 =	sshll.u32 s1, $0x6;
	s23 =	sadd.s32 $0x1, s23;
	[sflag:s11] =	ssyncset.done $0x0  }
0x62: {  	s25 =	sshrl.u32 s8, $0x3;
	p0 =	sne.s32 s23, s10;
	[sflag:s11] =	ssyncadd.s32 $0xFFFFD800  }
.Ltmp2:
0x63: {  	s24 =	sor.u32 $0x1C03, s31;
	[bflag:$0x0] =	sbarrier.arrive $0xFFFF;
	(pc) =	sbr.rel @p0 .LBB2_1-.Ltmp2, $4  }
0x64: {  	[hbm:s9], [sflag:s24] =	dma.local [spmem:s25], $0x2800  }
0x65: {  	_ =	swait.ge [sflag:s11], $0x2800  }
0x66: {  	[sflag:s11] =	ssyncset.done $0x0  }
0x67: {  	[sflag:s11] =	ssyncadd.s32 $0xFFFFD800  }
0x68: {  	_ =	sfence.sel $0x180000  }
0x69: {  	[bflag:$0x0] =	sbarrier.arrive $0xFFFF  }
0x6a: {  	p0 =	sne.s32 s1, $0x0;
	_ =	strace $0x90000050  }
0x6b: {  	s0 =	sadd.s32 @!p0 $0x100000, s0;
	[bflag:$0x2] =	sbarrier.arrive $0xFFFF  }
0x6c: {  	[sflag:s0] =	ssyncadd.tile.s32 @!p0 $0x1;
	_ =	shalt  }
.Lfunc_end2:
_tile_overlayer_lowered:
.L_overlay_start_2:
0x6d: {  	(tag) =	ssettag $0x2  }
0x6e: {  	s0 =	rddreg [dreg:$0x0];
	s2 =	stileid.u32  }
0x6f: {  	s1 =	rddreg [dreg:$0x1];
	p0 =	sne.s32 s2, $0x0  }
0x70: {  	s3 =	rddreg [dreg:$0x2];
	[bflag:$0x3] =	sbarrier.arrive $0xFFFF;
	s2 =	simm.s32 @!p0 $0x1C03  }
0x71: {  	[timem:s3], [sflag:s2] =	dma.local @!p0 [hbm:s0], s1  }
0x72: {  	s0 =	simm.s32 @!p0 $0x3  }
0x73: {  	_ =	swait.ge @!p0 [sflag:s0], s1  }
0x74: {  	s1 =	ssub.s32 @!p0 $0x0, s1;
	[sflag:s0] =	ssyncset.done @!p0 $0x0  }
0x75: {  	[sflag:s0] =	ssyncadd.s32 @!p0 s1  }
0x76: {  	[bflag:$0x3] =	sbarrier.arrive $0xFFFF  }
0x77: {  	_ =	shalt  }

</sc_bundles>
